<compile_context>
chip_gen: v7x
topology: tpu7x:2x2x1
jax: 0.10.2.dev20260603
libtpu: 0.0.44.dev20260713+nightly
codegen_flags: <defaults>
</compile_context>

<pallas_src>
import functools

import jax
import jax.numpy as jnp
from jax import lax
from jax.experimental import pallas as pl
from jax.experimental.pallas import tpu as pltpu
from jax.experimental.pallas import tpu_sc as plsc

N = 10000
E = 320000
D_IN, DW = 128, 128
D_H = 32

NC, NS = 2, 16
CHUNK = 128
CPT = 80
PH, CPP = 2, 40
EPAD = NC * NS * CPT * CHUNK
PAD_ROWS = 240
NP = N + PAD_ROWS
RPT = NP // NS

_f32 = jnp.float32
_mesh = plsc.VectorSubcoreMesh(
    core_axis_name="c", subcore_axis_name="s", num_cores=NC, num_subcores=NS)


def _fill16(ref, n, val):
  def body(i, _):
    ref[pl.ds(i * 16, 16)] = jnp.full((16,), val, _f32)
    return None
  lax.fori_loop(0, n, body, None)


@functools.partial(
    pl.kernel,
    out_type=jax.ShapeDtypeStruct((NC, NP), _f32),
    mesh=_mesh,
    scratch_types=[
        pltpu.VMEM((CPT, CHUNK), jnp.int32),
        pltpu.VMEM((CHUNK,), _f32),
        pltpu.VMEM((RPT,), _f32),
        pltpu.VMEM_SHARED((NP,), _f32),
        pltpu.SemaphoreType.DMA,
    ],
)
def _deg_kernel(dst_hbm, out_hbm, didx, ones, zrow, deg_sh, gsem):
  cid = lax.axis_index("c")
  sid = lax.axis_index("s")
  _fill16(ones, CHUNK // 16, 1.0)
  _fill16(zrow, RPT // 16, 0.0)
  pltpu.sync_copy(zrow, deg_sh.at[pl.ds(sid * RPT, RPT)])
  plsc.subcore_barrier()
  pltpu.sync_copy(dst_hbm.at[cid, sid], didx)

  def body(j, _):
    pltpu.async_copy(ones, deg_sh.at[didx.at[j]], gsem, add=True)
    return None
  lax.fori_loop(0, CPT, body, None)

  def drain(j, _):
    pltpu.make_async_copy(ones, deg_sh.at[didx.at[j]], gsem).wait()
    return None
  lax.fori_loop(0, CPT, drain, None)
  plsc.subcore_barrier()
  pltpu.sync_copy(deg_sh.at[pl.ds(sid * RPT, RPT)],
                  out_hbm.at[cid, pl.ds(sid * RPT, RPT)])


@functools.partial(
    pl.kernel,
    out_type=jax.ShapeDtypeStruct((NC, NP, DW), _f32),
    mesh=_mesh,
    scratch_types=[
        pltpu.VMEM((CPP, CHUNK), jnp.int32),
        pltpu.VMEM((CPP, CHUNK), jnp.int32),
        pltpu.VMEM((CHUNK, DW), _f32),
        pltpu.VMEM((CHUNK, DW), _f32),
        pltpu.VMEM_SHARED((NP, DW), _f32),
        pltpu.SemaphoreType.DMA,
        pltpu.SemaphoreType.DMA,
    ],
)
def _agg_kernel(h_hbm, src_hbm, dst_hbm, out_hbm,
                sidx, didx, rows0, rows1, acc_sh, gsem0, gsem1):
  cid = lax.axis_index("c")
  sid = lax.axis_index("s")

  def zbody(i, _):
    r = i // 8
    c = (i % 8) * 16
    rows0[r, pl.ds(c, 16)] = jnp.zeros((16,), _f32)
    return None
  lax.fori_loop(0, CHUNK * 8, zbody, None)
  for q in range(RPT // CHUNK):
    pltpu.async_copy(rows0, acc_sh.at[pl.ds(sid * RPT + q * CHUNK, CHUNK)],
                     gsem0)
  for q in range(RPT // CHUNK):
    pltpu.make_async_copy(
        rows0, acc_sh.at[pl.ds(sid * RPT + q * CHUNK, CHUNK)], gsem0).wait()
  plsc.subcore_barrier()

  for ph in range(PH):
    pltpu.sync_copy(src_hbm.at[cid, sid, pl.ds(ph * CPP, CPP)], sidx)
    pltpu.sync_copy(dst_hbm.at[cid, sid, pl.ds(ph * CPP, CPP)], didx)
    pltpu.async_copy(h_hbm.at[sidx.at[0]], rows0, gsem0)
    pltpu.async_copy(h_hbm.at[sidx.at[1]], rows1, gsem1)

    def body(g, _):
      for b, rows, sem in ((0, rows0, gsem0), (1, rows1, gsem1)):
        j = 2 * g + b
        pltpu.make_async_copy(h_hbm.at[sidx.at[j]], rows, sem).wait()
        pltpu.sync_copy(rows, acc_sh.at[didx.at[j]], add=True)

        @pl.when(j + 2 < CPP)
        def _():
          pltpu.async_copy(h_hbm.at[sidx.at[j + 2]], rows, sem)
      return None
    lax.fori_loop(0, CPP // 2, body, None)

  plsc.subcore_barrier()
  pltpu.sync_copy(acc_sh.at[pl.ds(sid * RPT, RPT)],
                  out_hbm.at[cid, pl.ds(sid * RPT, RPT)])


def _mm_body(x_ref, w_ref, h_ref):
  h_ref[...] = jnp.dot(x_ref[...], w_ref[...], preferred_element_type=_f32)


def _scale_body(deg_ref, h_ref, dis_ref, hs_ref):
  deg = deg_ref[0] + deg_ref[1]
  dis = lax.rsqrt(deg[:N] + 1.0).reshape(N, 1)
  dis_ref[...] = dis
  hs_ref[...] = jnp.concatenate(
      [h_ref[...] * dis, jnp.zeros((N, DW - D_H), _f32)], axis=1)


def _relu_scale_body(aggp_ref, hs_ref, dis_ref, b1_ref, h1s_ref):
  a = aggp_ref[0][:N] + aggp_ref[1][:N]
  b1p = jnp.concatenate(
      [b1_ref[...], jnp.zeros((1, DW - D_H), _f32)], axis=1)
  dis = dis_ref[...]
  h1 = jnp.maximum(dis * (a + hs_ref[...]) + b1p, 0.0)
  h1s_ref[...] = h1 * dis


def _final_body(aggp_ref, h1s_ref, dis_ref, w_ref, b_ref, mu_ref, ls_ref):
  a = aggp_ref[0][:N, :D_H] + aggp_ref[1][:N, :D_H]
  a2 = dis_ref[...] * (a + h1s_ref[:, :D_H])
  out = jnp.dot(a2, w_ref[...], preferred_element_type=_f32) + b_ref[...]
  k = out.shape[1] // 2
  mu_ref[...] = out[:, :k]
  ls_ref[...] = out[:, k:]


def kernel(X, edge_index, W1, b1, W_mu, b_mu, W_ls, b_ls):
  flat = jax.lax.optimization_barrier(edge_index.reshape(2 * E))
  src = flat[:E]
  dst = flat[E:]
  pad = EPAD - E
  ar = jnp.arange(pad, dtype=edge_index.dtype)
  src_f = jnp.concatenate([src, ar % N])
  dst_f = jnp.concatenate([dst, N + ar % PAD_ROWS])
  src_p = src_f.reshape(NC, NS, CPT, CHUNK)
  dst_p = dst_f.reshape(NC, NS, CPT, CHUNK)

  h32 = pl.pallas_call(
      _mm_body,
      out_shape=jax.ShapeDtypeStruct((N, D_H), _f32),
  )(X, W1)
  deg_p = _deg_kernel(dst_p)

  dis, hs = pl.pallas_call(
      _scale_body,
      out_shape=(jax.ShapeDtypeStruct((N, 1), _f32),
                 jax.ShapeDtypeStruct((N, DW), _f32)),
  )(deg_p, h32)

  agg1 = _agg_kernel(hs, src_p, dst_p)

  h1s = pl.pallas_call(
      _relu_scale_body,
      out_shape=jax.ShapeDtypeStruct((N, DW), _f32),
  )(agg1, hs, dis, b1.reshape(1, D_H))

  agg2 = _agg_kernel(h1s, src_p, dst_p)

  k = b_mu.shape[0]
  w_cat = jnp.concatenate([W_mu, W_ls], axis=1)
  b_cat = jnp.concatenate([b_mu, b_ls]).reshape(1, 2 * k)
  mu, ls = pl.pallas_call(
      _final_body,
      out_shape=(jax.ShapeDtypeStruct((N, k), _f32),
                 jax.ShapeDtypeStruct((N, k), _f32)),
  )(agg2, h1s, dis, w_cat, b_cat)

  return (mu, ls)

# --- scband reference (transcript-rebuilt; emitter-appended) ---
"""Pipeline reference for scband-tg-vgaeencoder-10376640987771 (READ-ONLY COPY).

The authoritative reference and input builder live on the scoring server;
editing this copy changes nothing except your own understanding.
"""

import jax, jax.numpy as jnp
import numpy as np

N = 10000
E = 320000
D_IN, D_H, D_LAT = 128, 32, 16


def setup_inputs(seed: int = 0) -> dict:
    key = jax.random.key(seed)
    ks = jax.random.split(key, 8)
    X = jax.random.normal(ks[0], (N, D_IN), dtype=jnp.float32)
    edge_index = jax.random.randint(ks[1], (2, E), 0, N)
    W1 = jax.random.normal(ks[2], (D_IN, D_H), dtype=jnp.float32) * (1.0 / np.sqrt(D_IN))
    b1 = jnp.zeros((D_H,), dtype=jnp.float32)
    W_mu = jax.random.normal(ks[3], (D_H, D_LAT), dtype=jnp.float32) * (1.0 / np.sqrt(D_H))
    b_mu = jnp.zeros((D_LAT,), dtype=jnp.float32)
    W_ls = jax.random.normal(ks[4], (D_H, D_LAT), dtype=jnp.float32) * (1.0 / np.sqrt(D_H))
    b_ls = jnp.zeros((D_LAT,), dtype=jnp.float32)
    return {"X": X, "edge_index": edge_index, "W1": W1, "b1": b1,
            "W_mu": W_mu, "b_mu": b_mu, "W_ls": W_ls, "b_ls": b_ls}


def _gcn_conv(x, edge_index, W, b, num_nodes):
    # PyG GCNConv: add self-loops, symmetric deg^{-1/2} normalization,
    # linear transform, scatter-add aggregation over destination nodes, bias.
    loop = jnp.arange(num_nodes, dtype=edge_index.dtype)
    src = jnp.concatenate([edge_index[0], loop])
    dst = jnp.concatenate([edge_index[1], loop])
    deg = jnp.zeros((num_nodes,), dtype=x.dtype).at[dst].add(1.0)
    deg_inv_sqrt = jnp.where(deg > 0, deg ** -0.5, 0.0)
    norm = deg_inv_sqrt[src] * deg_inv_sqrt[dst]
    h = x @ W
    msg = h[src] * norm[:, None]
    out = jnp.zeros((num_nodes, W.shape[1]), dtype=x.dtype).at[dst].add(msg)
    return out + b


def reference(X, edge_index, W1, b1, W_mu, b_mu, W_ls, b_ls):
    num_nodes = X.shape[0]
    h = _gcn_conv(X, edge_index, W1, b1, num_nodes)
    h = jax.nn.relu(h)
    mu = _gcn_conv(h, edge_index, W_mu, b_mu, num_nodes)
    logstd = _gcn_conv(h, edge_index, W_ls, b_ls, num_nodes)
    return (mu, logstd)

if __name__ == "__main__":
    import jax
    _d = setup_inputs()
    print(jax.jit(kernel)(*tuple(_d.values())))

</pallas_src>

<mosaic_0001>
#map = affine_map<(d0, d1) -> (0, 0)>
#map1 = affine_map<(d0, d1) -> (0, 0, 0, 0)>
#map2 = affine_map<(d0, d1) -> (0, 0, 0)>
module attributes {stable_mosaic.version = 14 : i64} {
  func.func @_agg_kernel(%arg0: i32, %arg1: i32, %arg2: memref<10000x128xf32, #tpu.memory_space<hbm>>, %arg3: memref<2x16x80x128xi32, #tpu.memory_space<hbm>>, %arg4: memref<2x16x80x128xi32, #tpu.memory_space<hbm>>, %arg5: memref<2x10240x128xf32, #tpu.memory_space<hbm>>, %arg6: memref<40x128xi32, #tpu.memory_space<vmem>>, %arg7: memref<40x128xi32, #tpu.memory_space<vmem>>, %arg8: memref<128x128xf32, #tpu.memory_space<vmem>>, %arg9: memref<128x128xf32, #tpu.memory_space<vmem>>, %arg10: memref<10240x128xf32, #tpu.memory_space<vmem_shared>>, %arg11: memref<!tpu.dma_semaphore, #tpu.memory_space<semaphore_mem>>, %arg12: memref<!tpu.dma_semaphore, #tpu.memory_space<semaphore_mem>>) attributes {dimension_semantics = [#tpu.dimension_semantics<core_parallel>, #tpu.dimension_semantics<subcore_parallel>], iteration_bounds = array<i64: 2, 16>, scalar_prefetch = 0 : i64, scratch_operands = 7 : i64, tpu.core_type = #tpu.core_type<sc_vector_subcore>, window_params = [{transform_indices = #map}, {transform_indices = #map1}, {transform_indices = #map1}, {transform_indices = #map2}]} {
    %scan3A = arith.constant 0 : i32
    %scan3A_0 = arith.constant 1024 : i32
    %scan3A_1 = arith.addi %scan3A, %scan3A_0 : i32
    %scan3A_2 = arith.constant 1 : i32
    scf.for %scan3A_123 = %scan3A to %scan3A_1 step %scan3A_2  : i32 {
      %jit3A = arith.constant 8 : i32
      %div3A = arith.divsi %scan3A_123, %jit3A : i32
      %sign3A = arith.constant 0 : i32
      %sign3A_124 = arith.cmpi sgt, %scan3A_123, %sign3A : i32
      %sign3A_125 = arith.extui %sign3A_124 : i1 to i32
      %sign3A_126 = arith.constant 0 : i32
      %sign3A_127 = arith.cmpi slt, %scan3A_123, %sign3A_126 : i32
      %sign3A_128 = arith.extui %sign3A_127 : i1 to i32
      %sign3A_129 = arith.subi %sign3A_125, %sign3A_128 : i32
      %sign3A_130 = arith.constant 0 : i32
      %sign3A_131 = arith.cmpi sgt, %jit3A, %sign3A_130 : i32
      %sign3A_132 = arith.extui %sign3A_131 : i1 to i32
      %sign3A_133 = arith.constant 0 : i32
      %sign3A_134 = arith.cmpi slt, %jit3A, %sign3A_133 : i32
      %sign3A_135 = arith.extui %sign3A_134 : i1 to i32
      %sign3A_136 = arith.subi %sign3A_132, %sign3A_135 : i32
      %ne3A = arith.cmpi ne, %sign3A_129, %sign3A_136 : i32
      %rem3A = arith.remsi %scan3A_123, %jit3A : i32
      %ne3A_137 = arith.constant 0 : i32
      %ne3A_138 = arith.cmpi ne, %rem3A, %ne3A_137 : i32
      %and3A = arith.andi %ne3A, %ne3A_138 : i1
      %sub3A = arith.constant 1 : i32
      %sub3A_139 = arith.subi %div3A, %sub3A : i32
      %select_n3A = arith.select %and3A, %sub3A_139, %div3A : i32
      %jit3A_140 = arith.constant 8 : i32
      %eq3A = arith.constant 0 : i32
      %eq3A_141 = arith.cmpi eq, %jit3A_140, %eq3A : i32
      %jit3A_142 = arith.constant 1 : i32
      %select_n3A_143 = arith.select %eq3A_141, %jit3A_142, %jit3A_140 : i32
      %rem3A_144 = arith.remsi %scan3A_123, %select_n3A_143 : i32
      %ne3A_145 = arith.constant 0 : i32
      %ne3A_146 = arith.cmpi ne, %rem3A_144, %ne3A_145 : i32
      %lt3A = arith.constant 0 : i32
      %lt3A_147 = arith.cmpi slt, %rem3A_144, %lt3A : i32
      %lt3A_148 = arith.constant 0 : i32
      %lt3A_149 = arith.cmpi slt, %select_n3A_143, %lt3A_148 : i32
      %ne3A_150 = arith.xori %lt3A_147, %lt3A_149 : i1
      %and3A_151 = arith.andi %ne3A_150, %ne3A_146 : i1
      %add3A_152 = arith.addi %rem3A_144, %select_n3A_143 : i32
      %select_n3A_153 = arith.select %and3A_151, %add3A_152, %rem3A_144 : i32
      %mul3A_154 = arith.constant 16 : i32
      %mul3A_155 = arith.muli %select_n3A_153, %mul3A_154 : i32
      %broadcast_in_dim3A = arith.constant 0.000000e+00 : f32
      %broadcast_in_dim3A_156 = vector.broadcast %broadcast_in_dim3A : f32 to vector<16xf32>
      %swap3A = arith.index_cast %select_n3A : i32 to index
      %swap3A_157 = arith.index_cast %mul3A_155 : i32 to index
      %swap3A_158 = tpu.vector_load %arg8[%swap3A, %swap3A_157] {strides = array<i32>} : memref<128x128xf32, #tpu.memory_space<vmem>>, vector<1x16xf32>,
      %swap3A_159 = vector.shape_cast %swap3A_158 : vector<1x16xf32> to vector<16xf32>
      %swap3A_160 = vector.shape_cast %broadcast_in_dim3A_156 : vector<16xf32> to vector<1x16xf32>
      tpu.vector_store %arg8[%swap3A, %swap3A_157], %swap3A_160 {strides = array<i32>} : memref<128x128xf32, #tpu.memory_space<vmem>>, vector<1x16xf32>,
    }
    %scan3A_3 = arith.constant 1024 : i32
    %mul3A = arith.constant 640 : i32
    %mul3A_4 = arith.muli %arg1, %mul3A : i32
    %add3A = arith.constant 0 : i32
    %add3A_5 = arith.addi %mul3A_4, %add3A : i32
    %dma_start3A = arith.constant 0 : i32
    %dma_start3A_6 = tpu.memref_slice %arg10[%add3A_5, %dma_start3A] : memref<10240x128xf32, #tpu.memory_space<vmem_shared>> -> memref<128x128xf32, #tpu.memory_space<vmem_shared>>
    %dma_start3A_7 = arith.constant 0 : i32
    %dma_start3A_8 = tpu.memref_slice %arg10[%add3A_5, %dma_start3A_7] : memref<10240x128xf32, #tpu.memory_space<vmem_shared>> -> memref<128x128xf32, #tpu.memory_space<vmem_shared>>
    tpu.enqueue_dma source(%arg8 : memref<128x128xf32, #tpu.memory_space<vmem>>) target(%dma_start3A_8 : memref<128x128xf32, #tpu.memory_space<vmem_shared>>) target_semaphore(%arg11 : memref<!tpu.dma_semaphore, #tpu.memory_space<semaphore_mem>>)
    %mul3A_9 = arith.constant 640 : i32
    %mul3A_10 = arith.muli %arg1, %mul3A_9 : i32
    %add3A_11 = arith.constant 128 : i32
    %add3A_12 = arith.addi %mul3A_10, %add3A_11 : i32
    %dma_start3A_13 = arith.constant 0 : i32
    %dma_start3A_14 = tpu.memref_slice %arg10[%add3A_12, %dma_start3A_13] : memref<10240x128xf32, #tpu.memory_space<vmem_shared>> -> memref<128x128xf32, #tpu.memory_space<vmem_shared>>
    %dma_start3A_15 = arith.constant 0 : i32
    %dma_start3A_16 = tpu.memref_slice %arg10[%add3A_12, %dma_start3A_15] : memref<10240x128xf32, #tpu.memory_space<vmem_shared>> -> memref<128x128xf32, #tpu.memory_space<vmem_shared>>
    tpu.enqueue_dma source(%arg8 : memref<128x128xf32, #tpu.memory_space<vmem>>) target(%dma_start3A_16 : memref<128x128xf32, #tpu.memory_space<vmem_shared>>) target_semaphore(%arg11 : memref<!tpu.dma_semaphore, #tpu.memory_space<semaphore_mem>>)
    %mul3A_17 = arith.constant 640 : i32
    %mul3A_18 = arith.muli %arg1, %mul3A_17 : i32
    %add3A_19 = arith.constant 256 : i32
    %add3A_20 = arith.addi %mul3A_18, %add3A_19 : i32
    %dma_start3A_21 = arith.constant 0 : i32
    %dma_start3A_22 = tpu.memref_slice %arg10[%add3A_20, %dma_start3A_21] : memref<10240x128xf32, #tpu.memory_space<vmem_shared>> -> memref<128x128xf32, #tpu.memory_space<vmem_shared>>
    %dma_start3A_23 = arith.constant 0 : i32
    %dma_start3A_24 = tpu.memref_slice %arg10[%add3A_20, %dma_start3A_23] : memref<10240x128xf32, #tpu.memory_space<vmem_shared>> -> memref<128x128xf32, #tpu.memory_space<vmem_shared>>
    tpu.enqueue_dma source(%arg8 : memref<128x128xf32, #tpu.memory_space<vmem>>) target(%dma_start3A_24 : memref<128x128xf32, #tpu.memory_space<vmem_shared>>) target_semaphore(%arg11 : memref<!tpu.dma_semaphore, #tpu.memory_space<semaphore_mem>>)
    %mul3A_25 = arith.constant 640 : i32
    %mul3A_26 = arith.muli %arg1, %mul3A_25 : i32
    %add3A_27 = arith.constant 384 : i32
    %add3A_28 = arith.addi %mul3A_26, %add3A_27 : i32
    %dma_start3A_29 = arith.constant 0 : i32
    %dma_start3A_30 = tpu.memref_slice %arg10[%add3A_28, %dma_start3A_29] : memref<10240x128xf32, #tpu.memory_space<vmem_shared>> -> memref<128x128xf32, #tpu.memory_space<vmem_shared>>
    %dma_start3A_31 = arith.constant 0 : i32
    %dma_start3A_32 = tpu.memref_slice %arg10[%add3A_28, %dma_start3A_31] : memref<10240x128xf32, #tpu.memory_space<vmem_shared>> -> memref<128x128xf32, #tpu.memory_space<vmem_shared>>
    tpu.enqueue_dma source(%arg8 : memref<128x128xf32, #tpu.memory_space<vmem>>) target(%dma_start3A_32 : memref<128x128xf32, #tpu.memory_space<vmem_shared>>) target_semaphore(%arg11 : memref<!tpu.dma_semaphore, #tpu.memory_space<semaphore_mem>>)
    %mul3A_33 = arith.constant 640 : i32
    %mul3A_34 = arith.muli %arg1, %mul3A_33 : i32
    %add3A_35 = arith.constant 512 : i32
    %add3A_36 = arith.addi %mul3A_34, %add3A_35 : i32
    %dma_start3A_37 = arith.constant 0 : i32
    %dma_start3A_38 = tpu.memref_slice %arg10[%add3A_36, %dma_start3A_37] : memref<10240x128xf32, #tpu.memory_space<vmem_shared>> -> memref<128x128xf32, #tpu.memory_space<vmem_shared>>
    %dma_start3A_39 = arith.constant 0 : i32
    %dma_start3A_40 = tpu.memref_slice %arg10[%add3A_36, %dma_start3A_39] : memref<10240x128xf32, #tpu.memory_space<vmem_shared>> -> memref<128x128xf32, #tpu.memory_space<vmem_shared>>
    tpu.enqueue_dma source(%arg8 : memref<128x128xf32, #tpu.memory_space<vmem>>) target(%dma_start3A_40 : memref<128x128xf32, #tpu.memory_space<vmem_shared>>) target_semaphore(%arg11 : memref<!tpu.dma_semaphore, #tpu.memory_space<semaphore_mem>>)
    %mul3A_41 = arith.constant 640 : i32
    %mul3A_42 = arith.muli %arg1, %mul3A_41 : i32
    %add3A_43 = arith.constant 0 : i32
    %add3A_44 = arith.addi %mul3A_42, %add3A_43 : i32
    %dma_wait3A = arith.constant 0 : i32
    %dma_wait3A_45 = tpu.memref_slice %arg10[%add3A_44, %dma_wait3A] : memref<10240x128xf32, #tpu.memory_space<vmem_shared>> -> memref<128x128xf32, #tpu.memory_space<vmem_shared>>
    %dma_wait3A_46 = arith.constant 0 : i32
    %dma_wait3A_47 = tpu.memref_slice %arg10[%add3A_44, %dma_wait3A_46] : memref<10240x128xf32, #tpu.memory_space<vmem_shared>> -> memref<128x128xf32, #tpu.memory_space<vmem_shared>>
    tpu.wait_dma2 semaphore(%arg11 : memref<!tpu.dma_semaphore, #tpu.memory_space<semaphore_mem>>) src(%arg8 : memref<128x128xf32, #tpu.memory_space<vmem>>) dst(%dma_wait3A_47 : memref<128x128xf32, #tpu.memory_space<vmem_shared>>)
    %mul3A_48 = arith.constant 640 : i32
    %mul3A_49 = arith.muli %arg1, %mul3A_48 : i32
    %add3A_50 = arith.constant 128 : i32
    %add3A_51 = arith.addi %mul3A_49, %add3A_50 : i32
    %dma_wait3A_52 = arith.constant 0 : i32
    %dma_wait3A_53 = tpu.memref_slice %arg10[%add3A_51, %dma_wait3A_52] : memref<10240x128xf32, #tpu.memory_space<vmem_shared>> -> memref<128x128xf32, #tpu.memory_space<vmem_shared>>
    %dma_wait3A_54 = arith.constant 0 : i32
    %dma_wait3A_55 = tpu.memref_slice %arg10[%add3A_51, %dma_wait3A_54] : memref<10240x128xf32, #tpu.memory_space<vmem_shared>> -> memref<128x128xf32, #tpu.memory_space<vmem_shared>>
    tpu.wait_dma2 semaphore(%arg11 : memref<!tpu.dma_semaphore, #tpu.memory_space<semaphore_mem>>) src(%arg8 : memref<128x128xf32, #tpu.memory_space<vmem>>) dst(%dma_wait3A_55 : memref<128x128xf32, #tpu.memory_space<vmem_shared>>)
    %mul3A_56 = arith.constant 640 : i32
    %mul3A_57 = arith.muli %arg1, %mul3A_56 : i32
    %add3A_58 = arith.constant 256 : i32
    %add3A_59 = arith.addi %mul3A_57, %add3A_58 : i32
    %dma_wait3A_60 = arith.constant 0 : i32
    %dma_wait3A_61 = tpu.memref_slice %arg10[%add3A_59, %dma_wait3A_60] : memref<10240x128xf32, #tpu.memory_space<vmem_shared>> -> memref<128x128xf32, #tpu.memory_space<vmem_shared>>
    %dma_wait3A_62 = arith.constant 0 : i32
    %dma_wait3A_63 = tpu.memref_slice %arg10[%add3A_59, %dma_wait3A_62] : memref<10240x128xf32, #tpu.memory_space<vmem_shared>> -> memref<128x128xf32, #tpu.memory_space<vmem_shared>>
    tpu.wait_dma2 semaphore(%arg11 : memref<!tpu.dma_semaphore, #tpu.memory_space<semaphore_mem>>) src(%arg8 : memref<128x128xf32, #tpu.memory_space<vmem>>) dst(%dma_wait3A_63 : memref<128x128xf32, #tpu.memory_space<vmem_shared>>)
    %mul3A_64 = arith.constant 640 : i32
    %mul3A_65 = arith.muli %arg1, %mul3A_64 : i32
    %add3A_66 = arith.constant 384 : i32
    %add3A_67 = arith.addi %mul3A_65, %add3A_66 : i32
    %dma_wait3A_68 = arith.constant 0 : i32
    %dma_wait3A_69 = tpu.memref_slice %arg10[%add3A_67, %dma_wait3A_68] : memref<10240x128xf32, #tpu.memory_space<vmem_shared>> -> memref<128x128xf32, #tpu.memory_space<vmem_shared>>
    %dma_wait3A_70 = arith.constant 0 : i32
    %dma_wait3A_71 = tpu.memref_slice %arg10[%add3A_67, %dma_wait3A_70] : memref<10240x128xf32, #tpu.memory_space<vmem_shared>> -> memref<128x128xf32, #tpu.memory_space<vmem_shared>>
    tpu.wait_dma2 semaphore(%arg11 : memref<!tpu.dma_semaphore, #tpu.memory_space<semaphore_mem>>) src(%arg8 : memref<128x128xf32, #tpu.memory_space<vmem>>) dst(%dma_wait3A_71 : memref<128x128xf32, #tpu.memory_space<vmem_shared>>)
    %mul3A_72 = arith.constant 640 : i32
    %mul3A_73 = arith.muli %arg1, %mul3A_72 : i32
    %add3A_74 = arith.constant 512 : i32
    %add3A_75 = arith.addi %mul3A_73, %add3A_74 : i32
    %dma_wait3A_76 = arith.constant 0 : i32
    %dma_wait3A_77 = tpu.memref_slice %arg10[%add3A_75, %dma_wait3A_76] : memref<10240x128xf32, #tpu.memory_space<vmem_shared>> -> memref<128x128xf32, #tpu.memory_space<vmem_shared>>
    %dma_wait3A_78 = arith.constant 0 : i32
    %dma_wait3A_79 = tpu.memref_slice %arg10[%add3A_75, %dma_wait3A_78] : memref<10240x128xf32, #tpu.memory_space<vmem_shared>> -> memref<128x128xf32, #tpu.memory_space<vmem_shared>>
    tpu.wait_dma2 semaphore(%arg11 : memref<!tpu.dma_semaphore, #tpu.memory_space<semaphore_mem>>) src(%arg8 : memref<128x128xf32, #tpu.memory_space<vmem>>) dst(%dma_wait3A_79 : memref<128x128xf32, #tpu.memory_space<vmem_shared>>)
    %barrier3A = arith.constant 0 : index
    tpu.barrier barrier_id(%barrier3A)
    "tpu.region"() ({
      %run_scoped3A = tpu.sem_alloc : memref<!tpu.dma_semaphore, #tpu.memory_space<semaphore_mem>>
      %dma_start3A_123 = arith.constant 0 : i32
      %dma_start3A_124 = arith.constant 0 : i32
      %dma_start3A_125 = tpu.memref_slice %arg3[%arg0, %arg1, %dma_start3A_123, %dma_start3A_124] : memref<2x16x80x128xi32, #tpu.memory_space<hbm>> -> memref<1x1x40x128xi32, #tpu.memory_space<hbm>>
      %dma_start3A_126 = tpu.memref_squeeze %dma_start3A_125 : memref<1x1x40x128xi32, #tpu.memory_space<hbm>> -> memref<40x128xi32, #tpu.memory_space<hbm>>
      %dma_start3A_127 = arith.constant 0 : i32
      %dma_start3A_128 = arith.constant 0 : i32
      %dma_start3A_129 = tpu.memref_slice %arg3[%arg0, %arg1, %dma_start3A_127, %dma_start3A_128] : memref<2x16x80x128xi32, #tpu.memory_space<hbm>> -> memref<1x1x40x128xi32, #tpu.memory_space<hbm>>
      %dma_start3A_130 = tpu.memref_squeeze %dma_start3A_129 : memref<1x1x40x128xi32, #tpu.memory_space<hbm>> -> memref<40x128xi32, #tpu.memory_space<hbm>>
      tpu.enqueue_dma source(%dma_start3A_130 : memref<40x128xi32, #tpu.memory_space<hbm>>) target(%arg6 : memref<40x128xi32, #tpu.memory_space<vmem>>) target_semaphore(%run_scoped3A : memref<!tpu.dma_semaphore, #tpu.memory_space<semaphore_mem>>)
      %dma_wait3A_131 = arith.constant 0 : i32
      %dma_wait3A_132 = arith.constant 0 : i32
      %dma_wait3A_133 = tpu.memref_slice %arg3[%arg0, %arg1, %dma_wait3A_131, %dma_wait3A_132] : memref<2x16x80x128xi32, #tpu.memory_space<hbm>> -> memref<1x1x40x128xi32, #tpu.memory_space<hbm>>
      %dma_wait3A_134 = tpu.memref_squeeze %dma_wait3A_133 : memref<1x1x40x128xi32, #tpu.memory_space<hbm>> -> memref<40x128xi32, #tpu.memory_space<hbm>>
      %dma_wait3A_135 = arith.constant 0 : i32
      %dma_wait3A_136 = arith.constant 0 : i32
      %dma_wait3A_137 = tpu.memref_slice %arg3[%arg0, %arg1, %dma_wait3A_135, %dma_wait3A_136] : memref<2x16x80x128xi32, #tpu.memory_space<hbm>> -> memref<1x1x40x128xi32, #tpu.memory_space<hbm>>
      %dma_wait3A_138 = tpu.memref_squeeze %dma_wait3A_137 : memref<1x1x40x128xi32, #tpu.memory_space<hbm>> -> memref<40x128xi32, #tpu.memory_space<hbm>>
      tpu.wait_dma2 semaphore(%run_scoped3A : memref<!tpu.dma_semaphore, #tpu.memory_space<semaphore_mem>>) src(%dma_wait3A_138 : memref<40x128xi32, #tpu.memory_space<hbm>>) dst(%arg6 : memref<40x128xi32, #tpu.memory_space<vmem>>)
      tpu.yield
    }) : () -> ()
    "tpu.region"() ({
      %run_scoped3A = tpu.sem_alloc : memref<!tpu.dma_semaphore, #tpu.memory_space<semaphore_mem>>
      %dma_start3A_123 = arith.constant 0 : i32
      %dma_start3A_124 = arith.constant 0 : i32
      %dma_start3A_125 = tpu.memref_slice %arg4[%arg0, %arg1, %dma_start3A_123, %dma_start3A_124] : memref<2x16x80x128xi32, #tpu.memory_space<hbm>> -> memref<1x1x40x128xi32, #tpu.memory_space<hbm>>
      %dma_start3A_126 = tpu.memref_squeeze %dma_start3A_125 : memref<1x1x40x128xi32, #tpu.memory_space<hbm>> -> memref<40x128xi32, #tpu.memory_space<hbm>>
      %dma_start3A_127 = arith.constant 0 : i32
      %dma_start3A_128 = arith.constant 0 : i32
      %dma_start3A_129 = tpu.memref_slice %arg4[%arg0, %arg1, %dma_start3A_127, %dma_start3A_128] : memref<2x16x80x128xi32, #tpu.memory_space<hbm>> -> memref<1x1x40x128xi32, #tpu.memory_space<hbm>>
      %dma_start3A_130 = tpu.memref_squeeze %dma_start3A_129 : memref<1x1x40x128xi32, #tpu.memory_space<hbm>> -> memref<40x128xi32, #tpu.memory_space<hbm>>
      tpu.enqueue_dma source(%dma_start3A_130 : memref<40x128xi32, #tpu.memory_space<hbm>>) target(%arg7 : memref<40x128xi32, #tpu.memory_space<vmem>>) target_semaphore(%run_scoped3A : memref<!tpu.dma_semaphore, #tpu.memory_space<semaphore_mem>>)
      %dma_wait3A_131 = arith.constant 0 : i32
      %dma_wait3A_132 = arith.constant 0 : i32
      %dma_wait3A_133 = tpu.memref_slice %arg4[%arg0, %arg1, %dma_wait3A_131, %dma_wait3A_132] : memref<2x16x80x128xi32, #tpu.memory_space<hbm>> -> memref<1x1x40x128xi32, #tpu.memory_space<hbm>>
      %dma_wait3A_134 = tpu.memref_squeeze %dma_wait3A_133 : memref<1x1x40x128xi32, #tpu.memory_space<hbm>> -> memref<40x128xi32, #tpu.memory_space<hbm>>
      %dma_wait3A_135 = arith.constant 0 : i32
      %dma_wait3A_136 = arith.constant 0 : i32
      %dma_wait3A_137 = tpu.memref_slice %arg4[%arg0, %arg1, %dma_wait3A_135, %dma_wait3A_136] : memref<2x16x80x128xi32, #tpu.memory_space<hbm>> -> memref<1x1x40x128xi32, #tpu.memory_space<hbm>>
      %dma_wait3A_138 = tpu.memref_squeeze %dma_wait3A_137 : memref<1x1x40x128xi32, #tpu.memory_space<hbm>> -> memref<40x128xi32, #tpu.memory_space<hbm>>
      tpu.wait_dma2 semaphore(%run_scoped3A : memref<!tpu.dma_semaphore, #tpu.memory_space<semaphore_mem>>) src(%dma_wait3A_138 : memref<40x128xi32, #tpu.memory_space<hbm>>) dst(%arg7 : memref<40x128xi32, #tpu.memory_space<vmem>>)
      tpu.yield
    }) : () -> ()
    %dma_start3A_80 = arith.constant 0 : i32
    %dma_start3A_81 = arith.constant 0 : i32
    %dma_start3A_82 = tpu.memref_slice %arg6[%dma_start3A_80, %dma_start3A_81] : memref<40x128xi32, #tpu.memory_space<vmem>> -> memref<1x128xi32, #tpu.memory_space<vmem>>
    %dma_start3A_83 = tpu.memref_squeeze %dma_start3A_82 : memref<1x128xi32, #tpu.memory_space<vmem>> -> memref<128xi32, #tpu.memory_space<vmem>>
    %dma_start3A_84 = arith.constant 0 : i32
    %dma_start3A_85 = arith.constant 0 : i32
    %dma_start3A_86 = tpu.memref_slice %arg2[%dma_start3A_84, %dma_start3A_85] : memref<10000x128xf32, #tpu.memory_space<hbm>> -> memref<10000x128xf32, #tpu.memory_space<hbm>>
    tpu.enqueue_indirect_dma source(%dma_start3A_86 : memref<10000x128xf32, #tpu.memory_space<hbm>>) target(%arg8 : memref<128x128xf32, #tpu.memory_space<vmem>>) offsets(%dma_start3A_83 : memref<128xi32, #tpu.memory_space<vmem>>) semaphore(%arg11 : memref<!tpu.dma_semaphore, #tpu.memory_space<semaphore_mem>>)
    %dma_start3A_87 = arith.constant 1 : i32
    %dma_start3A_88 = arith.constant 0 : i32
    %dma_start3A_89 = tpu.memref_slice %arg6[%dma_start3A_87, %dma_start3A_88] : memref<40x128xi32, #tpu.memory_space<vmem>> -> memref<1x128xi32, #tpu.memory_space<vmem>>
    %dma_start3A_90 = tpu.memref_squeeze %dma_start3A_89 : memref<1x128xi32, #tpu.memory_space<vmem>> -> memref<128xi32, #tpu.memory_space<vmem>>
    %dma_start3A_91 = arith.constant 0 : i32
    %dma_start3A_92 = arith.constant 0 : i32
    %dma_start3A_93 = tpu.memref_slice %arg2[%dma_start3A_91, %dma_start3A_92] : memref<10000x128xf32, #tpu.memory_space<hbm>> -> memref<10000x128xf32, #tpu.memory_space<hbm>>
    tpu.enqueue_indirect_dma source(%dma_start3A_93 : memref<10000x128xf32, #tpu.memory_space<hbm>>) target(%arg9 : memref<128x128xf32, #tpu.memory_space<vmem>>) offsets(%dma_start3A_90 : memref<128xi32, #tpu.memory_space<vmem>>) semaphore(%arg12 : memref<!tpu.dma_semaphore, #tpu.memory_space<semaphore_mem>>)
    %scan3A_94 = arith.constant 0 : i32
    %scan3A_95 = arith.constant 20 : i32
    %scan3A_96 = arith.addi %scan3A_94, %scan3A_95 : i32
    %scan3A_97 = arith.constant 1 : i32
    scf.for %scan3A_123 = %scan3A_94 to %scan3A_96 step %scan3A_97  : i32 {
      %mul3A_124 = arith.constant 2 : i32
      %mul3A_125 = arith.muli %mul3A_124, %scan3A_123 : i32
      %add3A_126 = arith.constant 0 : i32
      %add3A_127 = arith.addi %mul3A_125, %add3A_126 : i32
      %dma_wait3A_128 = arith.constant 0 : i32
      %dma_wait3A_129 = tpu.memref_slice %arg6[%add3A_127, %dma_wait3A_128] : memref<40x128xi32, #tpu.memory_space<vmem>> -> memref<1x128xi32, #tpu.memory_space<vmem>>
      %dma_wait3A_130 = tpu.memref_squeeze %dma_wait3A_129 : memref<1x128xi32, #tpu.memory_space<vmem>> -> memref<128xi32, #tpu.memory_space<vmem>>
      %dma_wait3A_131 = arith.constant 0 : i32
      %dma_wait3A_132 = arith.constant 0 : i32
      %dma_wait3A_133 = tpu.memref_slice %arg2[%dma_wait3A_131, %dma_wait3A_132] : memref<10000x128xf32, #tpu.memory_space<hbm>> -> memref<10000x128xf32, #tpu.memory_space<hbm>>
      tpu.wait_indirect_dma semaphore(%arg11 : memref<!tpu.dma_semaphore, #tpu.memory_space<semaphore_mem>>) src(%dma_wait3A_133 : memref<10000x128xf32, #tpu.memory_space<hbm>>) dst(%arg8 : memref<128x128xf32, #tpu.memory_space<vmem>>)
      "tpu.region"() ({
        %run_scoped3A = tpu.sem_alloc : memref<!tpu.dma_semaphore, #tpu.memory_space<semaphore_mem>>
        %dma_start3A_155 = arith.constant 0 : i32
        %dma_start3A_156 = tpu.memref_slice %arg7[%add3A_127, %dma_start3A_155] : memref<40x128xi32, #tpu.memory_space<vmem>> -> memref<1x128xi32, #tpu.memory_space<vmem>>
        %dma_start3A_157 = tpu.memref_squeeze %dma_start3A_156 : memref<1x128xi32, #tpu.memory_space<vmem>> -> memref<128xi32, #tpu.memory_space<vmem>>
        %dma_start3A_158 = arith.constant 0 : i32
        %dma_start3A_159 = arith.constant 0 : i32
        %dma_start3A_160 = tpu.memref_slice %arg10[%dma_start3A_158, %dma_start3A_159] : memref<10240x128xf32, #tpu.memory_space<vmem_shared>> -> memref<10240x128xf32, #tpu.memory_space<vmem_shared>>
        tpu.enqueue_indirect_dma source(%arg8 : memref<128x128xf32, #tpu.memory_space<vmem>>) target(%dma_start3A_160 : memref<10240x128xf32, #tpu.memory_space<vmem_shared>>) offsets(%dma_start3A_157 : memref<128xi32, #tpu.memory_space<vmem>>) semaphore(%run_scoped3A : memref<!tpu.dma_semaphore, #tpu.memory_space<semaphore_mem>>) {add = true}
        %dma_wait3A_161 = arith.constant 0 : i32
        %dma_wait3A_162 = tpu.memref_slice %arg7[%add3A_127, %dma_wait3A_161] : memref<40x128xi32, #tpu.memory_space<vmem>> -> memref<1x128xi32, #tpu.memory_space<vmem>>
        %dma_wait3A_163 = tpu.memref_squeeze %dma_wait3A_162 : memref<1x128xi32, #tpu.memory_space<vmem>> -> memref<128xi32, #tpu.memory_space<vmem>>
        %dma_wait3A_164 = arith.constant 0 : i32
        %dma_wait3A_165 = arith.constant 0 : i32
        %dma_wait3A_166 = tpu.memref_slice %arg10[%dma_wait3A_164, %dma_wait3A_165] : memref<10240x128xf32, #tpu.memory_space<vmem_shared>> -> memref<10240x128xf32, #tpu.memory_space<vmem_shared>>
        tpu.wait_indirect_dma semaphore(%run_scoped3A : memref<!tpu.dma_semaphore, #tpu.memory_space<semaphore_mem>>) src(%arg8 : memref<128x128xf32, #tpu.memory_space<vmem>>) dst(%dma_wait3A_166 : memref<10240x128xf32, #tpu.memory_space<vmem_shared>>)
        tpu.yield
      }) : () -> ()
      %add3A_134 = arith.constant 2 : i32
      %add3A_135 = arith.addi %add3A_127, %add3A_134 : i32
      %lt3A = arith.constant 40 : i32
      %lt3A_136 = arith.cmpi slt, %add3A_135, %lt3A : i32
      %convert_element_type3A = arith.extui %lt3A_136 : i1 to i32
      %cond3A = arith.constant 0 : i32
      %cond3A_137 = arith.cmpi ne, %convert_element_type3A, %cond3A : i32
      scf.if %cond3A_137 {
        %add3A_155 = arith.constant 2 : i32
        %add3A_156 = arith.addi %add3A_127, %add3A_155 : i32
        %dma_start3A_157 = arith.constant 0 : i32
        %dma_start3A_158 = tpu.memref_slice %arg6[%add3A_156, %dma_start3A_157] : memref<40x128xi32, #tpu.memory_space<vmem>> -> memref<1x128xi32, #tpu.memory_space<vmem>>
        %dma_start3A_159 = tpu.memref_squeeze %dma_start3A_158 : memref<1x128xi32, #tpu.memory_space<vmem>> -> memref<128xi32, #tpu.memory_space<vmem>>
        %dma_start3A_160 = arith.constant 0 : i32
        %dma_start3A_161 = arith.constant 0 : i32
        %dma_start3A_162 = tpu.memref_slice %arg2[%dma_start3A_160, %dma_start3A_161] : memref<10000x128xf32, #tpu.memory_space<hbm>> -> memref<10000x128xf32, #tpu.memory_space<hbm>>
        tpu.enqueue_indirect_dma source(%dma_start3A_162 : memref<10000x128xf32, #tpu.memory_space<hbm>>) target(%arg8 : memref<128x128xf32, #tpu.memory_space<vmem>>) offsets(%dma_start3A_159 : memref<128xi32, #tpu.memory_space<vmem>>) semaphore(%arg11 : memref<!tpu.dma_semaphore, #tpu.memory_space<semaphore_mem>>)
      } else {
      }
      %mul3A_138 = arith.constant 2 : i32
      %mul3A_139 = arith.muli %mul3A_138, %scan3A_123 : i32
      %add3A_140 = arith.constant 1 : i32
      %add3A_141 = arith.addi %mul3A_139, %add3A_140 : i32
      %dma_wait3A_142 = arith.constant 0 : i32
      %dma_wait3A_143 = tpu.memref_slice %arg6[%add3A_141, %dma_wait3A_142] : memref<40x128xi32, #tpu.memory_space<vmem>> -> memref<1x128xi32, #tpu.memory_space<vmem>>
      %dma_wait3A_144 = tpu.memref_squeeze %dma_wait3A_143 : memref<1x128xi32, #tpu.memory_space<vmem>> -> memref<128xi32, #tpu.memory_space<vmem>>
      %dma_wait3A_145 = arith.constant 0 : i32
      %dma_wait3A_146 = arith.constant 0 : i32
      %dma_wait3A_147 = tpu.memref_slice %arg2[%dma_wait3A_145, %dma_wait3A_146] : memref<10000x128xf32, #tpu.memory_space<hbm>> -> memref<10000x128xf32, #tpu.memory_space<hbm>>
      tpu.wait_indirect_dma semaphore(%arg12 : memref<!tpu.dma_semaphore, #tpu.memory_space<semaphore_mem>>) src(%dma_wait3A_147 : memref<10000x128xf32, #tpu.memory_space<hbm>>) dst(%arg9 : memref<128x128xf32, #tpu.memory_space<vmem>>)
      "tpu.region"() ({
        %run_scoped3A = tpu.sem_alloc : memref<!tpu.dma_semaphore, #tpu.memory_space<semaphore_mem>>
        %dma_start3A_155 = arith.constant 0 : i32
        %dma_start3A_156 = tpu.memref_slice %arg7[%add3A_141, %dma_start3A_155] : memref<40x128xi32, #tpu.memory_space<vmem>> -> memref<1x128xi32, #tpu.memory_space<vmem>>
        %dma_start3A_157 = tpu.memref_squeeze %dma_start3A_156 : memref<1x128xi32, #tpu.memory_space<vmem>> -> memref<128xi32, #tpu.memory_space<vmem>>
        %dma_start3A_158 = arith.constant 0 : i32
        %dma_start3A_159 = arith.constant 0 : i32
        %dma_start3A_160 = tpu.memref_slice %arg10[%dma_start3A_158, %dma_start3A_159] : memref<10240x128xf32, #tpu.memory_space<vmem_shared>> -> memref<10240x128xf32, #tpu.memory_space<vmem_shared>>
        tpu.enqueue_indirect_dma source(%arg9 : memref<128x128xf32, #tpu.memory_space<vmem>>) target(%dma_start3A_160 : memref<10240x128xf32, #tpu.memory_space<vmem_shared>>) offsets(%dma_start3A_157 : memref<128xi32, #tpu.memory_space<vmem>>) semaphore(%run_scoped3A : memref<!tpu.dma_semaphore, #tpu.memory_space<semaphore_mem>>) {add = true}
        %dma_wait3A_161 = arith.constant 0 : i32
        %dma_wait3A_162 = tpu.memref_slice %arg7[%add3A_141, %dma_wait3A_161] : memref<40x128xi32, #tpu.memory_space<vmem>> -> memref<1x128xi32, #tpu.memory_space<vmem>>
        %dma_wait3A_163 = tpu.memref_squeeze %dma_wait3A_162 : memref<1x128xi32, #tpu.memory_space<vmem>> -> memref<128xi32, #tpu.memory_space<vmem>>
        %dma_wait3A_164 = arith.constant 0 : i32
        %dma_wait3A_165 = arith.constant 0 : i32
        %dma_wait3A_166 = tpu.memref_slice %arg10[%dma_wait3A_164, %dma_wait3A_165] : memref<10240x128xf32, #tpu.memory_space<vmem_shared>> -> memref<10240x128xf32, #tpu.memory_space<vmem_shared>>
        tpu.wait_indirect_dma semaphore(%run_scoped3A : memref<!tpu.dma_semaphore, #tpu.memory_space<semaphore_mem>>) src(%arg9 : memref<128x128xf32, #tpu.memory_space<vmem>>) dst(%dma_wait3A_166 : memref<10240x128xf32, #tpu.memory_space<vmem_shared>>)
        tpu.yield
      }) : () -> ()
      %add3A_148 = arith.constant 2 : i32
      %add3A_149 = arith.addi %add3A_141, %add3A_148 : i32
      %lt3A_150 = arith.constant 40 : i32
      %lt3A_151 = arith.cmpi slt, %add3A_149, %lt3A_150 : i32
      %convert_element_type3A_152 = arith.extui %lt3A_151 : i1 to i32
      %cond3A_153 = arith.constant 0 : i32
      %cond3A_154 = arith.cmpi ne, %convert_element_type3A_152, %cond3A_153 : i32
      scf.if %cond3A_154 {
        %add3A_155 = arith.constant 2 : i32
        %add3A_156 = arith.addi %add3A_141, %add3A_155 : i32
        %dma_start3A_157 = arith.constant 0 : i32
        %dma_start3A_158 = tpu.memref_slice %arg6[%add3A_156, %dma_start3A_157] : memref<40x128xi32, #tpu.memory_space<vmem>> -> memref<1x128xi32, #tpu.memory_space<vmem>>
        %dma_start3A_159 = tpu.memref_squeeze %dma_start3A_158 : memref<1x128xi32, #tpu.memory_space<vmem>> -> memref<128xi32, #tpu.memory_space<vmem>>
        %dma_start3A_160 = arith.constant 0 : i32
        %dma_start3A_161 = arith.constant 0 : i32
        %dma_start3A_162 = tpu.memref_slice %arg2[%dma_start3A_160, %dma_start3A_161] : memref<10000x128xf32, #tpu.memory_space<hbm>> -> memref<10000x128xf32, #tpu.memory_space<hbm>>
        tpu.enqueue_indirect_dma source(%dma_start3A_162 : memref<10000x128xf32, #tpu.memory_space<hbm>>) target(%arg9 : memref<128x128xf32, #tpu.memory_space<vmem>>) offsets(%dma_start3A_159 : memref<128xi32, #tpu.memory_space<vmem>>) semaphore(%arg12 : memref<!tpu.dma_semaphore, #tpu.memory_space<semaphore_mem>>)
      } else {
      }
    }
    %scan3A_98 = arith.constant 20 : i32
    "tpu.region"() ({
      %run_scoped3A = tpu.sem_alloc : memref<!tpu.dma_semaphore, #tpu.memory_space<semaphore_mem>>
      %dma_start3A_123 = arith.constant 40 : i32
      %dma_start3A_124 = arith.constant 0 : i32
      %dma_start3A_125 = tpu.memref_slice %arg3[%arg0, %arg1, %dma_start3A_123, %dma_start3A_124] : memref<2x16x80x128xi32, #tpu.memory_space<hbm>> -> memref<1x1x40x128xi32, #tpu.memory_space<hbm>>
      %dma_start3A_126 = tpu.memref_squeeze %dma_start3A_125 : memref<1x1x40x128xi32, #tpu.memory_space<hbm>> -> memref<40x128xi32, #tpu.memory_space<hbm>>
      %dma_start3A_127 = arith.constant 40 : i32
      %dma_start3A_128 = arith.constant 0 : i32
      %dma_start3A_129 = tpu.memref_slice %arg3[%arg0, %arg1, %dma_start3A_127, %dma_start3A_128] : memref<2x16x80x128xi32, #tpu.memory_space<hbm>> -> memref<1x1x40x128xi32, #tpu.memory_space<hbm>>
      %dma_start3A_130 = tpu.memref_squeeze %dma_start3A_129 : memref<1x1x40x128xi32, #tpu.memory_space<hbm>> -> memref<40x128xi32, #tpu.memory_space<hbm>>
      tpu.enqueue_dma source(%dma_start3A_130 : memref<40x128xi32, #tpu.memory_space<hbm>>) target(%arg6 : memref<40x128xi32, #tpu.memory_space<vmem>>) target_semaphore(%run_scoped3A : memref<!tpu.dma_semaphore, #tpu.memory_space<semaphore_mem>>)
      %dma_wait3A_131 = arith.constant 40 : i32
      %dma_wait3A_132 = arith.constant 0 : i32
      %dma_wait3A_133 = tpu.memref_slice %arg3[%arg0, %arg1, %dma_wait3A_131, %dma_wait3A_132] : memref<2x16x80x128xi32, #tpu.memory_space<hbm>> -> memref<1x1x40x128xi32, #tpu.memory_space<hbm>>
      %dma_wait3A_134 = tpu.memref_squeeze %dma_wait3A_133 : memref<1x1x40x128xi32, #tpu.memory_space<hbm>> -> memref<40x128xi32, #tpu.memory_space<hbm>>
      %dma_wait3A_135 = arith.constant 40 : i32
      %dma_wait3A_136 = arith.constant 0 : i32
      %dma_wait3A_137 = tpu.memref_slice %arg3[%arg0, %arg1, %dma_wait3A_135, %dma_wait3A_136] : memref<2x16x80x128xi32, #tpu.memory_space<hbm>> -> memref<1x1x40x128xi32, #tpu.memory_space<hbm>>
      %dma_wait3A_138 = tpu.memref_squeeze %dma_wait3A_137 : memref<1x1x40x128xi32, #tpu.memory_space<hbm>> -> memref<40x128xi32, #tpu.memory_space<hbm>>
      tpu.wait_dma2 semaphore(%run_scoped3A : memref<!tpu.dma_semaphore, #tpu.memory_space<semaphore_mem>>) src(%dma_wait3A_138 : memref<40x128xi32, #tpu.memory_space<hbm>>) dst(%arg6 : memref<40x128xi32, #tpu.memory_space<vmem>>)
      tpu.yield
    }) : () -> ()
    "tpu.region"() ({
      %run_scoped3A = tpu.sem_alloc : memref<!tpu.dma_semaphore, #tpu.memory_space<semaphore_mem>>
      %dma_start3A_123 = arith.constant 40 : i32
      %dma_start3A_124 = arith.constant 0 : i32
      %dma_start3A_125 = tpu.memref_slice %arg4[%arg0, %arg1, %dma_start3A_123, %dma_start3A_124] : memref<2x16x80x128xi32, #tpu.memory_space<hbm>> -> memref<1x1x40x128xi32, #tpu.memory_space<hbm>>
      %dma_start3A_126 = tpu.memref_squeeze %dma_start3A_125 : memref<1x1x40x128xi32, #tpu.memory_space<hbm>> -> memref<40x128xi32, #tpu.memory_space<hbm>>
      %dma_start3A_127 = arith.constant 40 : i32
      %dma_start3A_128 = arith.constant 0 : i32
      %dma_start3A_129 = tpu.memref_slice %arg4[%arg0, %arg1, %dma_start3A_127, %dma_start3A_128] : memref<2x16x80x128xi32, #tpu.memory_space<hbm>> -> memref<1x1x40x128xi32, #tpu.memory_space<hbm>>
      %dma_start3A_130 = tpu.memref_squeeze %dma_start3A_129 : memref<1x1x40x128xi32, #tpu.memory_space<hbm>> -> memref<40x128xi32, #tpu.memory_space<hbm>>
      tpu.enqueue_dma source(%dma_start3A_130 : memref<40x128xi32, #tpu.memory_space<hbm>>) target(%arg7 : memref<40x128xi32, #tpu.memory_space<vmem>>) target_semaphore(%run_scoped3A : memref<!tpu.dma_semaphore, #tpu.memory_space<semaphore_mem>>)
      %dma_wait3A_131 = arith.constant 40 : i32
      %dma_wait3A_132 = arith.constant 0 : i32
      %dma_wait3A_133 = tpu.memref_slice %arg4[%arg0, %arg1, %dma_wait3A_131, %dma_wait3A_132] : memref<2x16x80x128xi32, #tpu.memory_space<hbm>> -> memref<1x1x40x128xi32, #tpu.memory_space<hbm>>
      %dma_wait3A_134 = tpu.memref_squeeze %dma_wait3A_133 : memref<1x1x40x128xi32, #tpu.memory_space<hbm>> -> memref<40x128xi32, #tpu.memory_space<hbm>>
      %dma_wait3A_135 = arith.constant 40 : i32
      %dma_wait3A_136 = arith.constant 0 : i32
      %dma_wait3A_137 = tpu.memref_slice %arg4[%arg0, %arg1, %dma_wait3A_135, %dma_wait3A_136] : memref<2x16x80x128xi32, #tpu.memory_space<hbm>> -> memref<1x1x40x128xi32, #tpu.memory_space<hbm>>
      %dma_wait3A_138 = tpu.memref_squeeze %dma_wait3A_137 : memref<1x1x40x128xi32, #tpu.memory_space<hbm>> -> memref<40x128xi32, #tpu.memory_space<hbm>>
      tpu.wait_dma2 semaphore(%run_scoped3A : memref<!tpu.dma_semaphore, #tpu.memory_space<semaphore_mem>>) src(%dma_wait3A_138 : memref<40x128xi32, #tpu.memory_space<hbm>>) dst(%arg7 : memref<40x128xi32, #tpu.memory_space<vmem>>)
      tpu.yield
    }) : () -> ()
    %dma_start3A_99 = arith.constant 0 : i32
    %dma_start3A_100 = arith.constant 0 : i32
    %dma_start3A_101 = tpu.memref_slice %arg6[%dma_start3A_99, %dma_start3A_100] : memref<40x128xi32, #tpu.memory_space<vmem>> -> memref<1x128xi32, #tpu.memory_space<vmem>>
    %dma_start3A_102 = tpu.memref_squeeze %dma_start3A_101 : memref<1x128xi32, #tpu.memory_space<vmem>> -> memref<128xi32, #tpu.memory_space<vmem>>
    %dma_start3A_103 = arith.constant 0 : i32
    %dma_start3A_104 = arith.constant 0 : i32
    %dma_start3A_105 = tpu.memref_slice %arg2[%dma_start3A_103, %dma_start3A_104] : memref<10000x128xf32, #tpu.memory_space<hbm>> -> memref<10000x128xf32, #tpu.memory_space<hbm>>
    tpu.enqueue_indirect_dma source(%dma_start3A_105 : memref<10000x128xf32, #tpu.memory_space<hbm>>) target(%arg8 : memref<128x128xf32, #tpu.memory_space<vmem>>) offsets(%dma_start3A_102 : memref<128xi32, #tpu.memory_space<vmem>>) semaphore(%arg11 : memref<!tpu.dma_semaphore, #tpu.memory_space<semaphore_mem>>)
    %dma_start3A_106 = arith.constant 1 : i32
    %dma_start3A_107 = arith.constant 0 : i32
    %dma_start3A_108 = tpu.memref_slice %arg6[%dma_start3A_106, %dma_start3A_107] : memref<40x128xi32, #tpu.memory_space<vmem>> -> memref<1x128xi32, #tpu.memory_space<vmem>>
    %dma_start3A_109 = tpu.memref_squeeze %dma_start3A_108 : memref<1x128xi32, #tpu.memory_space<vmem>> -> memref<128xi32, #tpu.memory_space<vmem>>
    %dma_start3A_110 = arith.constant 0 : i32
    %dma_start3A_111 = arith.constant 0 : i32
    %dma_start3A_112 = tpu.memref_slice %arg2[%dma_start3A_110, %dma_start3A_111] : memref<10000x128xf32, #tpu.memory_space<hbm>> -> memref<10000x128xf32, #tpu.memory_space<hbm>>
    tpu.enqueue_indirect_dma source(%dma_start3A_112 : memref<10000x128xf32, #tpu.memory_space<hbm>>) target(%arg9 : memref<128x128xf32, #tpu.memory_space<vmem>>) offsets(%dma_start3A_109 : memref<128xi32, #tpu.memory_space<vmem>>) semaphore(%arg12 : memref<!tpu.dma_semaphore, #tpu.memory_space<semaphore_mem>>)
    %scan3A_113 = arith.constant 0 : i32
    %scan3A_114 = arith.constant 20 : i32
    %scan3A_115 = arith.addi %scan3A_113, %scan3A_114 : i32
    %scan3A_116 = arith.constant 1 : i32
    scf.for %scan3A_123 = %scan3A_113 to %scan3A_115 step %scan3A_116  : i32 {
      %mul3A_124 = arith.constant 2 : i32
      %mul3A_125 = arith.muli %mul3A_124, %scan3A_123 : i32
      %add3A_126 = arith.constant 0 : i32
      %add3A_127 = arith.addi %mul3A_125, %add3A_126 : i32
      %dma_wait3A_128 = arith.constant 0 : i32
      %dma_wait3A_129 = tpu.memref_slice %arg6[%add3A_127, %dma_wait3A_128] : memref<40x128xi32, #tpu.memory_space<vmem>> -> memref<1x128xi32, #tpu.memory_space<vmem>>
      %dma_wait3A_130 = tpu.memref_squeeze %dma_wait3A_129 : memref<1x128xi32, #tpu.memory_space<vmem>> -> memref<128xi32, #tpu.memory_space<vmem>>
      %dma_wait3A_131 = arith.constant 0 : i32
      %dma_wait3A_132 = arith.constant 0 : i32
      %dma_wait3A_133 = tpu.memref_slice %arg2[%dma_wait3A_131, %dma_wait3A_132] : memref<10000x128xf32, #tpu.memory_space<hbm>> -> memref<10000x128xf32, #tpu.memory_space<hbm>>
      tpu.wait_indirect_dma semaphore(%arg11 : memref<!tpu.dma_semaphore, #tpu.memory_space<semaphore_mem>>) src(%dma_wait3A_133 : memref<10000x128xf32, #tpu.memory_space<hbm>>) dst(%arg8 : memref<128x128xf32, #tpu.memory_space<vmem>>)
      "tpu.region"() ({
        %run_scoped3A = tpu.sem_alloc : memref<!tpu.dma_semaphore, #tpu.memory_space<semaphore_mem>>
        %dma_start3A_155 = arith.constant 0 : i32
        %dma_start3A_156 = tpu.memref_slice %arg7[%add3A_127, %dma_start3A_155] : memref<40x128xi32, #tpu.memory_space<vmem>> -> memref<1x128xi32, #tpu.memory_space<vmem>>
        %dma_start3A_157 = tpu.memref_squeeze %dma_start3A_156 : memref<1x128xi32, #tpu.memory_space<vmem>> -> memref<128xi32, #tpu.memory_space<vmem>>
        %dma_start3A_158 = arith.constant 0 : i32
        %dma_start3A_159 = arith.constant 0 : i32
        %dma_start3A_160 = tpu.memref_slice %arg10[%dma_start3A_158, %dma_start3A_159] : memref<10240x128xf32, #tpu.memory_space<vmem_shared>> -> memref<10240x128xf32, #tpu.memory_space<vmem_shared>>
        tpu.enqueue_indirect_dma source(%arg8 : memref<128x128xf32, #tpu.memory_space<vmem>>) target(%dma_start3A_160 : memref<10240x128xf32, #tpu.memory_space<vmem_shared>>) offsets(%dma_start3A_157 : memref<128xi32, #tpu.memory_space<vmem>>) semaphore(%run_scoped3A : memref<!tpu.dma_semaphore, #tpu.memory_space<semaphore_mem>>) {add = true}
        %dma_wait3A_161 = arith.constant 0 : i32
        %dma_wait3A_162 = tpu.memref_slice %arg7[%add3A_127, %dma_wait3A_161] : memref<40x128xi32, #tpu.memory_space<vmem>> -> memref<1x128xi32, #tpu.memory_space<vmem>>
        %dma_wait3A_163 = tpu.memref_squeeze %dma_wait3A_162 : memref<1x128xi32, #tpu.memory_space<vmem>> -> memref<128xi32, #tpu.memory_space<vmem>>
        %dma_wait3A_164 = arith.constant 0 : i32
        %dma_wait3A_165 = arith.constant 0 : i32
        %dma_wait3A_166 = tpu.memref_slice %arg10[%dma_wait3A_164, %dma_wait3A_165] : memref<10240x128xf32, #tpu.memory_space<vmem_shared>> -> memref<10240x128xf32, #tpu.memory_space<vmem_shared>>
        tpu.wait_indirect_dma semaphore(%run_scoped3A : memref<!tpu.dma_semaphore, #tpu.memory_space<semaphore_mem>>) src(%arg8 : memref<128x128xf32, #tpu.memory_space<vmem>>) dst(%dma_wait3A_166 : memref<10240x128xf32, #tpu.memory_space<vmem_shared>>)
        tpu.yield
      }) : () -> ()
      %add3A_134 = arith.constant 2 : i32
      %add3A_135 = arith.addi %add3A_127, %add3A_134 : i32
      %lt3A = arith.constant 40 : i32
      %lt3A_136 = arith.cmpi slt, %add3A_135, %lt3A : i32
      %convert_element_type3A = arith.extui %lt3A_136 : i1 to i32
      %cond3A = arith.constant 0 : i32
      %cond3A_137 = arith.cmpi ne, %convert_element_type3A, %cond3A : i32
      scf.if %cond3A_137 {
        %add3A_155 = arith.constant 2 : i32
        %add3A_156 = arith.addi %add3A_127, %add3A_155 : i32
        %dma_start3A_157 = arith.constant 0 : i32
        %dma_start3A_158 = tpu.memref_slice %arg6[%add3A_156, %dma_start3A_157] : memref<40x128xi32, #tpu.memory_space<vmem>> -> memref<1x128xi32, #tpu.memory_space<vmem>>
        %dma_start3A_159 = tpu.memref_squeeze %dma_start3A_158 : memref<1x128xi32, #tpu.memory_space<vmem>> -> memref<128xi32, #tpu.memory_space<vmem>>
        %dma_start3A_160 = arith.constant 0 : i32
        %dma_start3A_161 = arith.constant 0 : i32
        %dma_start3A_162 = tpu.memref_slice %arg2[%dma_start3A_160, %dma_start3A_161] : memref<10000x128xf32, #tpu.memory_space<hbm>> -> memref<10000x128xf32, #tpu.memory_space<hbm>>
        tpu.enqueue_indirect_dma source(%dma_start3A_162 : memref<10000x128xf32, #tpu.memory_space<hbm>>) target(%arg8 : memref<128x128xf32, #tpu.memory_space<vmem>>) offsets(%dma_start3A_159 : memref<128xi32, #tpu.memory_space<vmem>>) semaphore(%arg11 : memref<!tpu.dma_semaphore, #tpu.memory_space<semaphore_mem>>)
      } else {
      }
      %mul3A_138 = arith.constant 2 : i32
      %mul3A_139 = arith.muli %mul3A_138, %scan3A_123 : i32
      %add3A_140 = arith.constant 1 : i32
      %add3A_141 = arith.addi %mul3A_139, %add3A_140 : i32
      %dma_wait3A_142 = arith.constant 0 : i32
      %dma_wait3A_143 = tpu.memref_slice %arg6[%add3A_141, %dma_wait3A_142] : memref<40x128xi32, #tpu.memory_space<vmem>> -> memref<1x128xi32, #tpu.memory_space<vmem>>
      %dma_wait3A_144 = tpu.memref_squeeze %dma_wait3A_143 : memref<1x128xi32, #tpu.memory_space<vmem>> -> memref<128xi32, #tpu.memory_space<vmem>>
      %dma_wait3A_145 = arith.constant 0 : i32
      %dma_wait3A_146 = arith.constant 0 : i32
      %dma_wait3A_147 = tpu.memref_slice %arg2[%dma_wait3A_145, %dma_wait3A_146] : memref<10000x128xf32, #tpu.memory_space<hbm>> -> memref<10000x128xf32, #tpu.memory_space<hbm>>
      tpu.wait_indirect_dma semaphore(%arg12 : memref<!tpu.dma_semaphore, #tpu.memory_space<semaphore_mem>>) src(%dma_wait3A_147 : memref<10000x128xf32, #tpu.memory_space<hbm>>) dst(%arg9 : memref<128x128xf32, #tpu.memory_space<vmem>>)
      "tpu.region"() ({
        %run_scoped3A = tpu.sem_alloc : memref<!tpu.dma_semaphore, #tpu.memory_space<semaphore_mem>>
        %dma_start3A_155 = arith.constant 0 : i32
        %dma_start3A_156 = tpu.memref_slice %arg7[%add3A_141, %dma_start3A_155] : memref<40x128xi32, #tpu.memory_space<vmem>> -> memref<1x128xi32, #tpu.memory_space<vmem>>
        %dma_start3A_157 = tpu.memref_squeeze %dma_start3A_156 : memref<1x128xi32, #tpu.memory_space<vmem>> -> memref<128xi32, #tpu.memory_space<vmem>>
        %dma_start3A_158 = arith.constant 0 : i32
        %dma_start3A_159 = arith.constant 0 : i32
        %dma_start3A_160 = tpu.memref_slice %arg10[%dma_start3A_158, %dma_start3A_159] : memref<10240x128xf32, #tpu.memory_space<vmem_shared>> -> memref<10240x128xf32, #tpu.memory_space<vmem_shared>>
        tpu.enqueue_indirect_dma source(%arg9 : memref<128x128xf32, #tpu.memory_space<vmem>>) target(%dma_start3A_160 : memref<10240x128xf32, #tpu.memory_space<vmem_shared>>) offsets(%dma_start3A_157 : memref<128xi32, #tpu.memory_space<vmem>>) semaphore(%run_scoped3A : memref<!tpu.dma_semaphore, #tpu.memory_space<semaphore_mem>>) {add = true}
        %dma_wait3A_161 = arith.constant 0 : i32
        %dma_wait3A_162 = tpu.memref_slice %arg7[%add3A_141, %dma_wait3A_161] : memref<40x128xi32, #tpu.memory_space<vmem>> -> memref<1x128xi32, #tpu.memory_space<vmem>>
        %dma_wait3A_163 = tpu.memref_squeeze %dma_wait3A_162 : memref<1x128xi32, #tpu.memory_space<vmem>> -> memref<128xi32, #tpu.memory_space<vmem>>
        %dma_wait3A_164 = arith.constant 0 : i32
        %dma_wait3A_165 = arith.constant 0 : i32
        %dma_wait3A_166 = tpu.memref_slice %arg10[%dma_wait3A_164, %dma_wait3A_165] : memref<10240x128xf32, #tpu.memory_space<vmem_shared>> -> memref<10240x128xf32, #tpu.memory_space<vmem_shared>>
        tpu.wait_indirect_dma semaphore(%run_scoped3A : memref<!tpu.dma_semaphore, #tpu.memory_space<semaphore_mem>>) src(%arg9 : memref<128x128xf32, #tpu.memory_space<vmem>>) dst(%dma_wait3A_166 : memref<10240x128xf32, #tpu.memory_space<vmem_shared>>)
        tpu.yield
      }) : () -> ()
      %add3A_148 = arith.constant 2 : i32
      %add3A_149 = arith.addi %add3A_141, %add3A_148 : i32
      %lt3A_150 = arith.constant 40 : i32
      %lt3A_151 = arith.cmpi slt, %add3A_149, %lt3A_150 : i32
      %convert_element_type3A_152 = arith.extui %lt3A_151 : i1 to i32
      %cond3A_153 = arith.constant 0 : i32
      %cond3A_154 = arith.cmpi ne, %convert_element_type3A_152, %cond3A_153 : i32
      scf.if %cond3A_154 {
        %add3A_155 = arith.constant 2 : i32
        %add3A_156 = arith.addi %add3A_141, %add3A_155 : i32
        %dma_start3A_157 = arith.constant 0 : i32
        %dma_start3A_158 = tpu.memref_slice %arg6[%add3A_156, %dma_start3A_157] : memref<40x128xi32, #tpu.memory_space<vmem>> -> memref<1x128xi32, #tpu.memory_space<vmem>>
        %dma_start3A_159 = tpu.memref_squeeze %dma_start3A_158 : memref<1x128xi32, #tpu.memory_space<vmem>> -> memref<128xi32, #tpu.memory_space<vmem>>
        %dma_start3A_160 = arith.constant 0 : i32
        %dma_start3A_161 = arith.constant 0 : i32
        %dma_start3A_162 = tpu.memref_slice %arg2[%dma_start3A_160, %dma_start3A_161] : memref<10000x128xf32, #tpu.memory_space<hbm>> -> memref<10000x128xf32, #tpu.memory_space<hbm>>
        tpu.enqueue_indirect_dma source(%dma_start3A_162 : memref<10000x128xf32, #tpu.memory_space<hbm>>) target(%arg9 : memref<128x128xf32, #tpu.memory_space<vmem>>) offsets(%dma_start3A_159 : memref<128xi32, #tpu.memory_space<vmem>>) semaphore(%arg12 : memref<!tpu.dma_semaphore, #tpu.memory_space<semaphore_mem>>)
      } else {
      }
    }
    %scan3A_117 = arith.constant 20 : i32
    %barrier3A_118 = arith.constant 0 : index
    tpu.barrier barrier_id(%barrier3A_118)
    %mul3A_119 = arith.constant 640 : i32
    %mul3A_120 = arith.muli %arg1, %mul3A_119 : i32
    %mul3A_121 = arith.constant 640 : i32
    %mul3A_122 = arith.muli %arg1, %mul3A_121 : i32
    "tpu.region"() ({
      %run_scoped3A = tpu.sem_alloc : memref<!tpu.dma_semaphore, #tpu.memory_space<semaphore_mem>>
      %dma_start3A_123 = arith.constant 0 : i32
      %dma_start3A_124 = tpu.memref_slice %arg5[%arg0, %mul3A_122, %dma_start3A_123] : memref<2x10240x128xf32, #tpu.memory_space<hbm>> -> memref<1x640x128xf32, #tpu.memory_space<hbm>>
      %dma_start3A_125 = tpu.memref_squeeze %dma_start3A_124 : memref<1x640x128xf32, #tpu.memory_space<hbm>> -> memref<640x128xf32, #tpu.memory_space<hbm>>
      %dma_start3A_126 = arith.constant 0 : i32
      %dma_start3A_127 = tpu.memref_slice %arg10[%mul3A_120, %dma_start3A_126] : memref<10240x128xf32, #tpu.memory_space<vmem_shared>> -> memref<640x128xf32, #tpu.memory_space<vmem_shared>>
      tpu.enqueue_dma source(%dma_start3A_127 : memref<640x128xf32, #tpu.memory_space<vmem_shared>>) target(%dma_start3A_125 : memref<640x128xf32, #tpu.memory_space<hbm>>) target_semaphore(%run_scoped3A : memref<!tpu.dma_semaphore, #tpu.memory_space<semaphore_mem>>)
      %dma_wait3A_128 = arith.constant 0 : i32
      %dma_wait3A_129 = tpu.memref_slice %arg5[%arg0, %mul3A_122, %dma_wait3A_128] : memref<2x10240x128xf32, #tpu.memory_space<hbm>> -> memref<1x640x128xf32, #tpu.memory_space<hbm>>
      %dma_wait3A_130 = tpu.memref_squeeze %dma_wait3A_129 : memref<1x640x128xf32, #tpu.memory_space<hbm>> -> memref<640x128xf32, #tpu.memory_space<hbm>>
      %dma_wait3A_131 = arith.constant 0 : i32
      %dma_wait3A_132 = tpu.memref_slice %arg10[%mul3A_120, %dma_wait3A_131] : memref<10240x128xf32, #tpu.memory_space<vmem_shared>> -> memref<640x128xf32, #tpu.memory_space<vmem_shared>>
      tpu.wait_dma2 semaphore(%run_scoped3A : memref<!tpu.dma_semaphore, #tpu.memory_space<semaphore_mem>>) src(%dma_wait3A_132 : memref<640x128xf32, #tpu.memory_space<vmem_shared>>) dst(%dma_wait3A_130 : memref<640x128xf32, #tpu.memory_space<hbm>>)
      tpu.yield
    }) : () -> ()
    return
  }
}

#map = affine_map<(d0, d1) -> (0, 0, 0, 0)>
#map1 = affine_map<(d0, d1) -> (0, 0)>
module attributes {stable_mosaic.version = 14 : i64} {
  func.func @_deg_kernel(%arg0: i32, %arg1: i32, %arg2: memref<2x16x80x128xi32, #tpu.memory_space<hbm>>, %arg3: memref<2x10240xf32, #tpu.memory_space<hbm>>, %arg4: memref<80x128xi32, #tpu.memory_space<vmem>>, %arg5: memref<128xf32, #tpu.memory_space<vmem>>, %arg6: memref<640xf32, #tpu.memory_space<vmem>>, %arg7: memref<10240xf32, #tpu.memory_space<vmem_shared>>, %arg8: memref<!tpu.dma_semaphore, #tpu.memory_space<semaphore_mem>>) attributes {dimension_semantics = [#tpu.dimension_semantics<core_parallel>, #tpu.dimension_semantics<subcore_parallel>], iteration_bounds = array<i64: 2, 16>, scalar_prefetch = 0 : i64, scratch_operands = 5 : i64, tpu.core_type = #tpu.core_type<sc_vector_subcore>, window_params = [{transform_indices = #map}, {transform_indices = #map1}]} {
    %scan3A = arith.constant 0 : i32
    %scan3A_0 = arith.constant 8 : i32
    %scan3A_1 = arith.addi %scan3A, %scan3A_0 : i32
    %scan3A_2 = arith.constant 1 : i32
    scf.for %scan3A_25 = %scan3A to %scan3A_1 step %scan3A_2  : i32 {
      %broadcast_in_dim3A = arith.constant 1.000000e+00 : f32
      %broadcast_in_dim3A_26 = vector.broadcast %broadcast_in_dim3A : f32 to vector<16xf32>
      %mul3A_27 = arith.constant 16 : i32
      %mul3A_28 = arith.muli %scan3A_25, %mul3A_27 : i32
      %swap3A = arith.index_cast %mul3A_28 : i32 to index
      %swap3A_29 = tpu.vector_load %arg5[%swap3A] {strides = array<i32>} : memref<128xf32, #tpu.memory_space<vmem>>, vector<16xf32>,
      %swap3A_30 = vector.shape_cast %swap3A_29 : vector<16xf32> to vector<16xf32>
      %swap3A_31 = vector.shape_cast %broadcast_in_dim3A_26 : vector<16xf32> to vector<16xf32>
      tpu.vector_store %arg5[%swap3A], %swap3A_31 {strides = array<i32>} : memref<128xf32, #tpu.memory_space<vmem>>, vector<16xf32>,
    }
    %scan3A_3 = arith.constant 8 : i32
    %scan3A_4 = arith.constant 0 : i32
    %scan3A_5 = arith.constant 40 : i32
    %scan3A_6 = arith.addi %scan3A_4, %scan3A_5 : i32
    %scan3A_7 = arith.constant 1 : i32
    scf.for %scan3A_25 = %scan3A_4 to %scan3A_6 step %scan3A_7  : i32 {
      %broadcast_in_dim3A = arith.constant 0.000000e+00 : f32
      %broadcast_in_dim3A_26 = vector.broadcast %broadcast_in_dim3A : f32 to vector<16xf32>
      %mul3A_27 = arith.constant 16 : i32
      %mul3A_28 = arith.muli %scan3A_25, %mul3A_27 : i32
      %swap3A = arith.index_cast %mul3A_28 : i32 to index
      %swap3A_29 = tpu.vector_load %arg6[%swap3A] {strides = array<i32>} : memref<640xf32, #tpu.memory_space<vmem>>, vector<16xf32>,
      %swap3A_30 = vector.shape_cast %swap3A_29 : vector<16xf32> to vector<16xf32>
      %swap3A_31 = vector.shape_cast %broadcast_in_dim3A_26 : vector<16xf32> to vector<16xf32>
      tpu.vector_store %arg6[%swap3A], %swap3A_31 {strides = array<i32>} : memref<640xf32, #tpu.memory_space<vmem>>, vector<16xf32>,
    }
    %scan3A_8 = arith.constant 40 : i32
    %mul3A = arith.constant 640 : i32
    %mul3A_9 = arith.muli %arg1, %mul3A : i32
    "tpu.region"() ({
      %run_scoped3A = tpu.sem_alloc : memref<!tpu.dma_semaphore, #tpu.memory_space<semaphore_mem>>
      %dma_start3A = tpu.memref_slice %arg7[%mul3A_9] : memref<10240xf32, #tpu.memory_space<vmem_shared>> -> memref<640xf32, #tpu.memory_space<vmem_shared>>
      %dma_start3A_25 = tpu.memref_slice %arg7[%mul3A_9] : memref<10240xf32, #tpu.memory_space<vmem_shared>> -> memref<640xf32, #tpu.memory_space<vmem_shared>>
      tpu.enqueue_dma source(%arg6 : memref<640xf32, #tpu.memory_space<vmem>>) target(%dma_start3A_25 : memref<640xf32, #tpu.memory_space<vmem_shared>>) target_semaphore(%run_scoped3A : memref<!tpu.dma_semaphore, #tpu.memory_space<semaphore_mem>>)
      %dma_wait3A = tpu.memref_slice %arg7[%mul3A_9] : memref<10240xf32, #tpu.memory_space<vmem_shared>> -> memref<640xf32, #tpu.memory_space<vmem_shared>>
      %dma_wait3A_26 = tpu.memref_slice %arg7[%mul3A_9] : memref<10240xf32, #tpu.memory_space<vmem_shared>> -> memref<640xf32, #tpu.memory_space<vmem_shared>>
      tpu.wait_dma2 semaphore(%run_scoped3A : memref<!tpu.dma_semaphore, #tpu.memory_space<semaphore_mem>>) src(%arg6 : memref<640xf32, #tpu.memory_space<vmem>>) dst(%dma_wait3A_26 : memref<640xf32, #tpu.memory_space<vmem_shared>>)
      tpu.yield
    }) : () -> ()
    %barrier3A = arith.constant 0 : index
    tpu.barrier barrier_id(%barrier3A)
    "tpu.region"() ({
      %run_scoped3A = tpu.sem_alloc : memref<!tpu.dma_semaphore, #tpu.memory_space<semaphore_mem>>
      %dma_start3A = arith.constant 0 : i32
      %dma_start3A_25 = arith.constant 0 : i32
      %dma_start3A_26 = tpu.memref_slice %arg2[%arg0, %arg1, %dma_start3A, %dma_start3A_25] : memref<2x16x80x128xi32, #tpu.memory_space<hbm>> -> memref<1x1x80x128xi32, #tpu.memory_space<hbm>>
      %dma_start3A_27 = tpu.memref_squeeze %dma_start3A_26 : memref<1x1x80x128xi32, #tpu.memory_space<hbm>> -> memref<80x128xi32, #tpu.memory_space<hbm>>
      %dma_start3A_28 = arith.constant 0 : i32
      %dma_start3A_29 = arith.constant 0 : i32
      %dma_start3A_30 = tpu.memref_slice %arg2[%arg0, %arg1, %dma_start3A_28, %dma_start3A_29] : memref<2x16x80x128xi32, #tpu.memory_space<hbm>> -> memref<1x1x80x128xi32, #tpu.memory_space<hbm>>
      %dma_start3A_31 = tpu.memref_squeeze %dma_start3A_30 : memref<1x1x80x128xi32, #tpu.memory_space<hbm>> -> memref<80x128xi32, #tpu.memory_space<hbm>>
      tpu.enqueue_dma source(%dma_start3A_31 : memref<80x128xi32, #tpu.memory_space<hbm>>) target(%arg4 : memref<80x128xi32, #tpu.memory_space<vmem>>) target_semaphore(%run_scoped3A : memref<!tpu.dma_semaphore, #tpu.memory_space<semaphore_mem>>)
      %dma_wait3A = arith.constant 0 : i32
      %dma_wait3A_32 = arith.constant 0 : i32
      %dma_wait3A_33 = tpu.memref_slice %arg2[%arg0, %arg1, %dma_wait3A, %dma_wait3A_32] : memref<2x16x80x128xi32, #tpu.memory_space<hbm>> -> memref<1x1x80x128xi32, #tpu.memory_space<hbm>>
      %dma_wait3A_34 = tpu.memref_squeeze %dma_wait3A_33 : memref<1x1x80x128xi32, #tpu.memory_space<hbm>> -> memref<80x128xi32, #tpu.memory_space<hbm>>
      %dma_wait3A_35 = arith.constant 0 : i32
      %dma_wait3A_36 = arith.constant 0 : i32
      %dma_wait3A_37 = tpu.memref_slice %arg2[%arg0, %arg1, %dma_wait3A_35, %dma_wait3A_36] : memref<2x16x80x128xi32, #tpu.memory_space<hbm>> -> memref<1x1x80x128xi32, #tpu.memory_space<hbm>>
      %dma_wait3A_38 = tpu.memref_squeeze %dma_wait3A_37 : memref<1x1x80x128xi32, #tpu.memory_space<hbm>> -> memref<80x128xi32, #tpu.memory_space<hbm>>
      tpu.wait_dma2 semaphore(%run_scoped3A : memref<!tpu.dma_semaphore, #tpu.memory_space<semaphore_mem>>) src(%dma_wait3A_38 : memref<80x128xi32, #tpu.memory_space<hbm>>) dst(%arg4 : memref<80x128xi32, #tpu.memory_space<vmem>>)
      tpu.yield
    }) : () -> ()
    %scan3A_10 = arith.constant 0 : i32
    %scan3A_11 = arith.constant 80 : i32
    %scan3A_12 = arith.addi %scan3A_10, %scan3A_11 : i32
    %scan3A_13 = arith.constant 1 : i32
    scf.for %scan3A_25 = %scan3A_10 to %scan3A_12 step %scan3A_13  : i32 {
      %dma_start3A = arith.constant 0 : i32
      %dma_start3A_26 = tpu.memref_slice %arg4[%scan3A_25, %dma_start3A] : memref<80x128xi32, #tpu.memory_space<vmem>> -> memref<1x128xi32, #tpu.memory_space<vmem>>
      %dma_start3A_27 = tpu.memref_squeeze %dma_start3A_26 : memref<1x128xi32, #tpu.memory_space<vmem>> -> memref<128xi32, #tpu.memory_space<vmem>>
      %dma_start3A_28 = arith.constant 0 : i32
      %dma_start3A_29 = tpu.memref_slice %arg7[%dma_start3A_28] : memref<10240xf32, #tpu.memory_space<vmem_shared>> -> memref<10240xf32, #tpu.memory_space<vmem_shared>>
      tpu.enqueue_indirect_dma source(%arg5 : memref<128xf32, #tpu.memory_space<vmem>>) target(%dma_start3A_29 : memref<10240xf32, #tpu.memory_space<vmem_shared>>) offsets(%dma_start3A_27 : memref<128xi32, #tpu.memory_space<vmem>>) semaphore(%arg8 : memref<!tpu.dma_semaphore, #tpu.memory_space<semaphore_mem>>) {add = true}
    }
    %scan3A_14 = arith.constant 80 : i32
    %scan3A_15 = arith.constant 0 : i32
    %scan3A_16 = arith.constant 80 : i32
    %scan3A_17 = arith.addi %scan3A_15, %scan3A_16 : i32
    %scan3A_18 = arith.constant 1 : i32
    scf.for %scan3A_25 = %scan3A_15 to %scan3A_17 step %scan3A_18  : i32 {
      %dma_wait3A = arith.constant 0 : i32
      %dma_wait3A_26 = tpu.memref_slice %arg4[%scan3A_25, %dma_wait3A] : memref<80x128xi32, #tpu.memory_space<vmem>> -> memref<1x128xi32, #tpu.memory_space<vmem>>
      %dma_wait3A_27 = tpu.memref_squeeze %dma_wait3A_26 : memref<1x128xi32, #tpu.memory_space<vmem>> -> memref<128xi32, #tpu.memory_space<vmem>>
      %dma_wait3A_28 = arith.constant 0 : i32
      %dma_wait3A_29 = tpu.memref_slice %arg7[%dma_wait3A_28] : memref<10240xf32, #tpu.memory_space<vmem_shared>> -> memref<10240xf32, #tpu.memory_space<vmem_shared>>
      tpu.wait_indirect_dma semaphore(%arg8 : memref<!tpu.dma_semaphore, #tpu.memory_space<semaphore_mem>>) src(%arg5 : memref<128xf32, #tpu.memory_space<vmem>>) dst(%dma_wait3A_29 : memref<10240xf32, #tpu.memory_space<vmem_shared>>)
    }
    %scan3A_19 = arith.constant 80 : i32
    %barrier3A_20 = arith.constant 0 : index
    tpu.barrier barrier_id(%barrier3A_20)
    %mul3A_21 = arith.constant 640 : i32
    %mul3A_22 = arith.muli %arg1, %mul3A_21 : i32
    %mul3A_23 = arith.constant 640 : i32
    %mul3A_24 = arith.muli %arg1, %mul3A_23 : i32
    "tpu.region"() ({
      %run_scoped3A = tpu.sem_alloc : memref<!tpu.dma_semaphore, #tpu.memory_space<semaphore_mem>>
      %dma_start3A = tpu.memref_slice %arg3[%arg0, %mul3A_24] : memref<2x10240xf32, #tpu.memory_space<hbm>> -> memref<1x640xf32, #tpu.memory_space<hbm>>
      %dma_start3A_25 = tpu.memref_squeeze %dma_start3A : memref<1x640xf32, #tpu.memory_space<hbm>> -> memref<640xf32, #tpu.memory_space<hbm>>
      %dma_start3A_26 = tpu.memref_slice %arg7[%mul3A_22] : memref<10240xf32, #tpu.memory_space<vmem_shared>> -> memref<640xf32, #tpu.memory_space<vmem_shared>>
      tpu.enqueue_dma source(%dma_start3A_26 : memref<640xf32, #tpu.memory_space<vmem_shared>>) target(%dma_start3A_25 : memref<640xf32, #tpu.memory_space<hbm>>) target_semaphore(%run_scoped3A : memref<!tpu.dma_semaphore, #tpu.memory_space<semaphore_mem>>)
      %dma_wait3A = tpu.memref_slice %arg3[%arg0, %mul3A_24] : memref<2x10240xf32, #tpu.memory_space<hbm>> -> memref<1x640xf32, #tpu.memory_space<hbm>>
      %dma_wait3A_27 = tpu.memref_squeeze %dma_wait3A : memref<1x640xf32, #tpu.memory_space<hbm>> -> memref<640xf32, #tpu.memory_space<hbm>>
      %dma_wait3A_28 = tpu.memref_slice %arg7[%mul3A_22] : memref<10240xf32, #tpu.memory_space<vmem_shared>> -> memref<640xf32, #tpu.memory_space<vmem_shared>>
      tpu.wait_dma2 semaphore(%run_scoped3A : memref<!tpu.dma_semaphore, #tpu.memory_space<semaphore_mem>>) src(%dma_wait3A_28 : memref<640xf32, #tpu.memory_space<vmem_shared>>) dst(%dma_wait3A_27 : memref<640xf32, #tpu.memory_space<hbm>>)
      tpu.yield
    }) : () -> ()
    return
  }
}

#map = affine_map<(d0, d1) -> (0, 0)>
#map1 = affine_map<(d0, d1) -> (0, 0, 0, 0)>
#map2 = affine_map<(d0, d1) -> (0, 0, 0)>
module attributes {stable_mosaic.version = 14 : i64} {
  func.func @_agg_kernel(%arg0: i32, %arg1: i32, %arg2: memref<10000x128xf32, #tpu.memory_space<hbm>>, %arg3: memref<2x16x80x128xi32, #tpu.memory_space<hbm>>, %arg4: memref<2x16x80x128xi32, #tpu.memory_space<hbm>>, %arg5: memref<2x10240x128xf32, #tpu.memory_space<hbm>>, %arg6: memref<40x128xi32, #tpu.memory_space<vmem>>, %arg7: memref<40x128xi32, #tpu.memory_space<vmem>>, %arg8: memref<128x128xf32, #tpu.memory_space<vmem>>, %arg9: memref<128x128xf32, #tpu.memory_space<vmem>>, %arg10: memref<10240x128xf32, #tpu.memory_space<vmem_shared>>, %arg11: memref<!tpu.dma_semaphore, #tpu.memory_space<semaphore_mem>>, %arg12: memref<!tpu.dma_semaphore, #tpu.memory_space<semaphore_mem>>) attributes {dimension_semantics = [#tpu.dimension_semantics<core_parallel>, #tpu.dimension_semantics<subcore_parallel>], iteration_bounds = array<i64: 2, 16>, scalar_prefetch = 0 : i64, scratch_operands = 7 : i64, tpu.core_type = #tpu.core_type<sc_vector_subcore>, window_params = [{transform_indices = #map}, {transform_indices = #map1}, {transform_indices = #map1}, {transform_indices = #map2}]} {
    %scan3A = arith.constant 0 : i32
    %scan3A_0 = arith.constant 1024 : i32
    %scan3A_1 = arith.addi %scan3A, %scan3A_0 : i32
    %scan3A_2 = arith.constant 1 : i32
    scf.for %scan3A_123 = %scan3A to %scan3A_1 step %scan3A_2  : i32 {
      %jit3A = arith.constant 8 : i32
      %div3A = arith.divsi %scan3A_123, %jit3A : i32
      %sign3A = arith.constant 0 : i32
      %sign3A_124 = arith.cmpi sgt, %scan3A_123, %sign3A : i32
      %sign3A_125 = arith.extui %sign3A_124 : i1 to i32
      %sign3A_126 = arith.constant 0 : i32
      %sign3A_127 = arith.cmpi slt, %scan3A_123, %sign3A_126 : i32
      %sign3A_128 = arith.extui %sign3A_127 : i1 to i32
      %sign3A_129 = arith.subi %sign3A_125, %sign3A_128 : i32
      %sign3A_130 = arith.constant 0 : i32
      %sign3A_131 = arith.cmpi sgt, %jit3A, %sign3A_130 : i32
      %sign3A_132 = arith.extui %sign3A_131 : i1 to i32
      %sign3A_133 = arith.constant 0 : i32
      %sign3A_134 = arith.cmpi slt, %jit3A, %sign3A_133 : i32
      %sign3A_135 = arith.extui %sign3A_134 : i1 to i32
      %sign3A_136 = arith.subi %sign3A_132, %sign3A_135 : i32
      %ne3A = arith.cmpi ne, %sign3A_129, %sign3A_136 : i32
      %rem3A = arith.remsi %scan3A_123, %jit3A : i32
      %ne3A_137 = arith.constant 0 : i32
      %ne3A_138 = arith.cmpi ne, %rem3A, %ne3A_137 : i32
      %and3A = arith.andi %ne3A, %ne3A_138 : i1
      %sub3A = arith.constant 1 : i32
      %sub3A_139 = arith.subi %div3A, %sub3A : i32
      %select_n3A = arith.select %and3A, %sub3A_139, %div3A : i32
      %jit3A_140 = arith.constant 8 : i32
      %eq3A = arith.constant 0 : i32
      %eq3A_141 = arith.cmpi eq, %jit3A_140, %eq3A : i32
      %jit3A_142 = arith.constant 1 : i32
      %select_n3A_143 = arith.select %eq3A_141, %jit3A_142, %jit3A_140 : i32
      %rem3A_144 = arith.remsi %scan3A_123, %select_n3A_143 : i32
      %ne3A_145 = arith.constant 0 : i32
      %ne3A_146 = arith.cmpi ne, %rem3A_144, %ne3A_145 : i32
      %lt3A = arith.constant 0 : i32
      %lt3A_147 = arith.cmpi slt, %rem3A_144, %lt3A : i32
      %lt3A_148 = arith.constant 0 : i32
      %lt3A_149 = arith.cmpi slt, %select_n3A_143, %lt3A_148 : i32
      %ne3A_150 = arith.xori %lt3A_147, %lt3A_149 : i1
      %and3A_151 = arith.andi %ne3A_150, %ne3A_146 : i1
      %add3A_152 = arith.addi %rem3A_144, %select_n3A_143 : i32
      %select_n3A_153 = arith.select %and3A_151, %add3A_152, %rem3A_144 : i32
      %mul3A_154 = arith.constant 16 : i32
      %mul3A_155 = arith.muli %select_n3A_153, %mul3A_154 : i32
      %broadcast_in_dim3A = arith.constant 0.000000e+00 : f32
      %broadcast_in_dim3A_156 = vector.broadcast %broadcast_in_dim3A : f32 to vector<16xf32>
      %swap3A = arith.index_cast %select_n3A : i32 to index
      %swap3A_157 = arith.index_cast %mul3A_155 : i32 to index
      %swap3A_158 = tpu.vector_load %arg8[%swap3A, %swap3A_157] {strides = array<i32>} : memref<128x128xf32, #tpu.memory_space<vmem>>, vector<1x16xf32>,
      %swap3A_159 = vector.shape_cast %swap3A_158 : vector<1x16xf32> to vector<16xf32>
      %swap3A_160 = vector.shape_cast %broadcast_in_dim3A_156 : vector<16xf32> to vector<1x16xf32>
      tpu.vector_store %arg8[%swap3A, %swap3A_157], %swap3A_160 {strides = array<i32>} : memref<128x128xf32, #tpu.memory_space<vmem>>, vector<1x16xf32>,
    }
    %scan3A_3 = arith.constant 1024 : i32
    %mul3A = arith.constant 640 : i32
    %mul3A_4 = arith.muli %arg1, %mul3A : i32
    %add3A = arith.constant 0 : i32
    %add3A_5 = arith.addi %mul3A_4, %add3A : i32
    %dma_start3A = arith.constant 0 : i32
    %dma_start3A_6 = tpu.memref_slice %arg10[%add3A_5, %dma_start3A] : memref<10240x128xf32, #tpu.memory_space<vmem_shared>> -> memref<128x128xf32, #tpu.memory_space<vmem_shared>>
    %dma_start3A_7 = arith.constant 0 : i32
    %dma_start3A_8 = tpu.memref_slice %arg10[%add3A_5, %dma_start3A_7] : memref<10240x128xf32, #tpu.memory_space<vmem_shared>> -> memref<128x128xf32, #tpu.memory_space<vmem_shared>>
    tpu.enqueue_dma source(%arg8 : memref<128x128xf32, #tpu.memory_space<vmem>>) target(%dma_start3A_8 : memref<128x128xf32, #tpu.memory_space<vmem_shared>>) target_semaphore(%arg11 : memref<!tpu.dma_semaphore, #tpu.memory_space<semaphore_mem>>)
    %mul3A_9 = arith.constant 640 : i32
    %mul3A_10 = arith.muli %arg1, %mul3A_9 : i32
    %add3A_11 = arith.constant 128 : i32
    %add3A_12 = arith.addi %mul3A_10, %add3A_11 : i32
    %dma_start3A_13 = arith.constant 0 : i32
    %dma_start3A_14 = tpu.memref_slice %arg10[%add3A_12, %dma_start3A_13] : memref<10240x128xf32, #tpu.memory_space<vmem_shared>> -> memref<128x128xf32, #tpu.memory_space<vmem_shared>>
    %dma_start3A_15 = arith.constant 0 : i32
    %dma_start3A_16 = tpu.memref_slice %arg10[%add3A_12, %dma_start3A_15] : memref<10240x128xf32, #tpu.memory_space<vmem_shared>> -> memref<128x128xf32, #tpu.memory_space<vmem_shared>>
    tpu.enqueue_dma source(%arg8 : memref<128x128xf32, #tpu.memory_space<vmem>>) target(%dma_start3A_16 : memref<128x128xf32, #tpu.memory_space<vmem_shared>>) target_semaphore(%arg11 : memref<!tpu.dma_semaphore, #tpu.memory_space<semaphore_mem>>)
    %mul3A_17 = arith.constant 640 : i32
    %mul3A_18 = arith.muli %arg1, %mul3A_17 : i32
    %add3A_19 = arith.constant 256 : i32
    %add3A_20 = arith.addi %mul3A_18, %add3A_19 : i32
    %dma_start3A_21 = arith.constant 0 : i32
    %dma_start3A_22 = tpu.memref_slice %arg10[%add3A_20, %dma_start3A_21] : memref<10240x128xf32, #tpu.memory_space<vmem_shared>> -> memref<128x128xf32, #tpu.memory_space<vmem_shared>>
    %dma_start3A_23 = arith.constant 0 : i32
    %dma_start3A_24 = tpu.memref_slice %arg10[%add3A_20, %dma_start3A_23] : memref<10240x128xf32, #tpu.memory_space<vmem_shared>> -> memref<128x128xf32, #tpu.memory_space<vmem_shared>>
    tpu.enqueue_dma source(%arg8 : memref<128x128xf32, #tpu.memory_space<vmem>>) target(%dma_start3A_24 : memref<128x128xf32, #tpu.memory_space<vmem_shared>>) target_semaphore(%arg11 : memref<!tpu.dma_semaphore, #tpu.memory_space<semaphore_mem>>)
    %mul3A_25 = arith.constant 640 : i32
    %mul3A_26 = arith.muli %arg1, %mul3A_25 : i32
    %add3A_27 = arith.constant 384 : i32
    %add3A_28 = arith.addi %mul3A_26, %add3A_27 : i32
    %dma_start3A_29 = arith.constant 0 : i32
    %dma_start3A_30 = tpu.memref_slice %arg10[%add3A_28, %dma_start3A_29] : memref<10240x128xf32, #tpu.memory_space<vmem_shared>> -> memref<128x128xf32, #tpu.memory_space<vmem_shared>>
    %dma_start3A_31 = arith.constant 0 : i32
    %dma_start3A_32 = tpu.memref_slice %arg10[%add3A_28, %dma_start3A_31] : memref<10240x128xf32, #tpu.memory_space<vmem_shared>> -> memref<128x128xf32, #tpu.memory_space<vmem_shared>>
    tpu.enqueue_dma source(%arg8 : memref<128x128xf32, #tpu.memory_space<vmem>>) target(%dma_start3A_32 : memref<128x128xf32, #tpu.memory_space<vmem_shared>>) target_semaphore(%arg11 : memref<!tpu.dma_semaphore, #tpu.memory_space<semaphore_mem>>)
    %mul3A_33 = arith.constant 640 : i32
    %mul3A_34 = arith.muli %arg1, %mul3A_33 : i32
    %add3A_35 = arith.constant 512 : i32
    %add3A_36 = arith.addi %mul3A_34, %add3A_35 : i32
    %dma_start3A_37 = arith.constant 0 : i32
    %dma_start3A_38 = tpu.memref_slice %arg10[%add3A_36, %dma_start3A_37] : memref<10240x128xf32, #tpu.memory_space<vmem_shared>> -> memref<128x128xf32, #tpu.memory_space<vmem_shared>>
    %dma_start3A_39 = arith.constant 0 : i32
    %dma_start3A_40 = tpu.memref_slice %arg10[%add3A_36, %dma_start3A_39] : memref<10240x128xf32, #tpu.memory_space<vmem_shared>> -> memref<128x128xf32, #tpu.memory_space<vmem_shared>>
    tpu.enqueue_dma source(%arg8 : memref<128x128xf32, #tpu.memory_space<vmem>>) target(%dma_start3A_40 : memref<128x128xf32, #tpu.memory_space<vmem_shared>>) target_semaphore(%arg11 : memref<!tpu.dma_semaphore, #tpu.memory_space<semaphore_mem>>)
    %mul3A_41 = arith.constant 640 : i32
    %mul3A_42 = arith.muli %arg1, %mul3A_41 : i32
    %add3A_43 = arith.constant 0 : i32
    %add3A_44 = arith.addi %mul3A_42, %add3A_43 : i32
    %dma_wait3A = arith.constant 0 : i32
    %dma_wait3A_45 = tpu.memref_slice %arg10[%add3A_44, %dma_wait3A] : memref<10240x128xf32, #tpu.memory_space<vmem_shared>> -> memref<128x128xf32, #tpu.memory_space<vmem_shared>>
    %dma_wait3A_46 = arith.constant 0 : i32
    %dma_wait3A_47 = tpu.memref_slice %arg10[%add3A_44, %dma_wait3A_46] : memref<10240x128xf32, #tpu.memory_space<vmem_shared>> -> memref<128x128xf32, #tpu.memory_space<vmem_shared>>
    tpu.wait_dma2 semaphore(%arg11 : memref<!tpu.dma_semaphore, #tpu.memory_space<semaphore_mem>>) src(%arg8 : memref<128x128xf32, #tpu.memory_space<vmem>>) dst(%dma_wait3A_47 : memref<128x128xf32, #tpu.memory_space<vmem_shared>>)
    %mul3A_48 = arith.constant 640 : i32
    %mul3A_49 = arith.muli %arg1, %mul3A_48 : i32
    %add3A_50 = arith.constant 128 : i32
    %add3A_51 = arith.addi %mul3A_49, %add3A_50 : i32
    %dma_wait3A_52 = arith.constant 0 : i32
    %dma_wait3A_53 = tpu.memref_slice %arg10[%add3A_51, %dma_wait3A_52] : memref<10240x128xf32, #tpu.memory_space<vmem_shared>> -> memref<128x128xf32, #tpu.memory_space<vmem_shared>>
    %dma_wait3A_54 = arith.constant 0 : i32
    %dma_wait3A_55 = tpu.memref_slice %arg10[%add3A_51, %dma_wait3A_54] : memref<10240x128xf32, #tpu.memory_space<vmem_shared>> -> memref<128x128xf32, #tpu.memory_space<vmem_shared>>
    tpu.wait_dma2 semaphore(%arg11 : memref<!tpu.dma_semaphore, #tpu.memory_space<semaphore_mem>>) src(%arg8 : memref<128x128xf32, #tpu.memory_space<vmem>>) dst(%dma_wait3A_55 : memref<128x128xf32, #tpu.memory_space<vmem_shared>>)
    %mul3A_56 = arith.constant 640 : i32
    %mul3A_57 = arith.muli %arg1, %mul3A_56 : i32
    %add3A_58 = arith.constant 256 : i32
    %add3A_59 = arith.addi %mul3A_57, %add3A_58 : i32
    %dma_wait3A_60 = arith.constant 0 : i32
    %dma_wait3A_61 = tpu.memref_slice %arg10[%add3A_59, %dma_wait3A_60] : memref<10240x128xf32, #tpu.memory_space<vmem_shared>> -> memref<128x128xf32, #tpu.memory_space<vmem_shared>>
    %dma_wait3A_62 = arith.constant 0 : i32
    %dma_wait3A_63 = tpu.memref_slice %arg10[%add3A_59, %dma_wait3A_62] : memref<10240x128xf32, #tpu.memory_space<vmem_shared>> -> memref<128x128xf32, #tpu.memory_space<vmem_shared>>
    tpu.wait_dma2 semaphore(%arg11 : memref<!tpu.dma_semaphore, #tpu.memory_space<semaphore_mem>>) src(%arg8 : memref<128x128xf32, #tpu.memory_space<vmem>>) dst(%dma_wait3A_63 : memref<128x128xf32, #tpu.memory_space<vmem_shared>>)
    %mul3A_64 = arith.constant 640 : i32
    %mul3A_65 = arith.muli %arg1, %mul3A_64 : i32
    %add3A_66 = arith.constant 384 : i32
    %add3A_67 = arith.addi %mul3A_65, %add3A_66 : i32
    %dma_wait3A_68 = arith.constant 0 : i32
    %dma_wait3A_69 = tpu.memref_slice %arg10[%add3A_67, %dma_wait3A_68] : memref<10240x128xf32, #tpu.memory_space<vmem_shared>> -> memref<128x128xf32, #tpu.memory_space<vmem_shared>>
    %dma_wait3A_70 = arith.constant 0 : i32
    %dma_wait3A_71 = tpu.memref_slice %arg10[%add3A_67, %dma_wait3A_70] : memref<10240x128xf32, #tpu.memory_space<vmem_shared>> -> memref<128x128xf32, #tpu.memory_space<vmem_shared>>
    tpu.wait_dma2 semaphore(%arg11 : memref<!tpu.dma_semaphore, #tpu.memory_space<semaphore_mem>>) src(%arg8 : memref<128x128xf32, #tpu.memory_space<vmem>>) dst(%dma_wait3A_71 : memref<128x128xf32, #tpu.memory_space<vmem_shared>>)
    %mul3A_72 = arith.constant 640 : i32
    %mul3A_73 = arith.muli %arg1, %mul3A_72 : i32
    %add3A_74 = arith.constant 512 : i32
    %add3A_75 = arith.addi %mul3A_73, %add3A_74 : i32
    %dma_wait3A_76 = arith.constant 0 : i32
    %dma_wait3A_77 = tpu.memref_slice %arg10[%add3A_75, %dma_wait3A_76] : memref<10240x128xf32, #tpu.memory_space<vmem_shared>> -> memref<128x128xf32, #tpu.memory_space<vmem_shared>>
    %dma_wait3A_78 = arith.constant 0 : i32
    %dma_wait3A_79 = tpu.memref_slice %arg10[%add3A_75, %dma_wait3A_78] : memref<10240x128xf32, #tpu.memory_space<vmem_shared>> -> memref<128x128xf32, #tpu.memory_space<vmem_shared>>
    tpu.wait_dma2 semaphore(%arg11 : memref<!tpu.dma_semaphore, #tpu.memory_space<semaphore_mem>>) src(%arg8 : memref<128x128xf32, #tpu.memory_space<vmem>>) dst(%dma_wait3A_79 : memref<128x128xf32, #tpu.memory_space<vmem_shared>>)
    %barrier3A = arith.constant 0 : index
    tpu.barrier barrier_id(%barrier3A)
    "tpu.region"() ({
      %run_scoped3A = tpu.sem_alloc : memref<!tpu.dma_semaphore, #tpu.memory_space<semaphore_mem>>
      %dma_start3A_123 = arith.constant 0 : i32
      %dma_start3A_124 = arith.constant 0 : i32
      %dma_start3A_125 = tpu.memref_slice %arg3[%arg0, %arg1, %dma_start3A_123, %dma_start3A_124] : memref<2x16x80x128xi32, #tpu.memory_space<hbm>> -> memref<1x1x40x128xi32, #tpu.memory_space<hbm>>
      %dma_start3A_126 = tpu.memref_squeeze %dma_start3A_125 : memref<1x1x40x128xi32, #tpu.memory_space<hbm>> -> memref<40x128xi32, #tpu.memory_space<hbm>>
      %dma_start3A_127 = arith.constant 0 : i32
      %dma_start3A_128 = arith.constant 0 : i32
      %dma_start3A_129 = tpu.memref_slice %arg3[%arg0, %arg1, %dma_start3A_127, %dma_start3A_128] : memref<2x16x80x128xi32, #tpu.memory_space<hbm>> -> memref<1x1x40x128xi32, #tpu.memory_space<hbm>>
      %dma_start3A_130 = tpu.memref_squeeze %dma_start3A_129 : memref<1x1x40x128xi32, #tpu.memory_space<hbm>> -> memref<40x128xi32, #tpu.memory_space<hbm>>
      tpu.enqueue_dma source(%dma_start3A_130 : memref<40x128xi32, #tpu.memory_space<hbm>>) target(%arg6 : memref<40x128xi32, #tpu.memory_space<vmem>>) target_semaphore(%run_scoped3A : memref<!tpu.dma_semaphore, #tpu.memory_space<semaphore_mem>>)
      %dma_wait3A_131 = arith.constant 0 : i32
      %dma_wait3A_132 = arith.constant 0 : i32
      %dma_wait3A_133 = tpu.memref_slice %arg3[%arg0, %arg1, %dma_wait3A_131, %dma_wait3A_132] : memref<2x16x80x128xi32, #tpu.memory_space<hbm>> -> memref<1x1x40x128xi32, #tpu.memory_space<hbm>>
      %dma_wait3A_134 = tpu.memref_squeeze %dma_wait3A_133 : memref<1x1x40x128xi32, #tpu.memory_space<hbm>> -> memref<40x128xi32, #tpu.memory_space<hbm>>
      %dma_wait3A_135 = arith.constant 0 : i32
      %dma_wait3A_136 = arith.constant 0 : i32
      %dma_wait3A_137 = tpu.memref_slice %arg3[%arg0, %arg1, %dma_wait3A_135, %dma_wait3A_136] : memref<2x16x80x128xi32, #tpu.memory_space<hbm>> -> memref<1x1x40x128xi32, #tpu.memory_space<hbm>>
      %dma_wait3A_138 = tpu.memref_squeeze %dma_wait3A_137 : memref<1x1x40x128xi32, #tpu.memory_space<hbm>> -> memref<40x128xi32, #tpu.memory_space<hbm>>
      tpu.wait_dma2 semaphore(%run_scoped3A : memref<!tpu.dma_semaphore, #tpu.memory_space<semaphore_mem>>) src(%dma_wait3A_138 : memref<40x128xi32, #tpu.memory_space<hbm>>) dst(%arg6 : memref<40x128xi32, #tpu.memory_space<vmem>>)
      tpu.yield
    }) : () -> ()
    "tpu.region"() ({
      %run_scoped3A = tpu.sem_alloc : memref<!tpu.dma_semaphore, #tpu.memory_space<semaphore_mem>>
      %dma_start3A_123 = arith.constant 0 : i32
      %dma_start3A_124 = arith.constant 0 : i32
      %dma_start3A_125 = tpu.memref_slice %arg4[%arg0, %arg1, %dma_start3A_123, %dma_start3A_124] : memref<2x16x80x128xi32, #tpu.memory_space<hbm>> -> memref<1x1x40x128xi32, #tpu.memory_space<hbm>>
      %dma_start3A_126 = tpu.memref_squeeze %dma_start3A_125 : memref<1x1x40x128xi32, #tpu.memory_space<hbm>> -> memref<40x128xi32, #tpu.memory_space<hbm>>
      %dma_start3A_127 = arith.constant 0 : i32
      %dma_start3A_128 = arith.constant 0 : i32
      %dma_start3A_129 = tpu.memref_slice %arg4[%arg0, %arg1, %dma_start3A_127, %dma_start3A_128] : memref<2x16x80x128xi32, #tpu.memory_space<hbm>> -> memref<1x1x40x128xi32, #tpu.memory_space<hbm>>
      %dma_start3A_130 = tpu.memref_squeeze %dma_start3A_129 : memref<1x1x40x128xi32, #tpu.memory_space<hbm>> -> memref<40x128xi32, #tpu.memory_space<hbm>>
      tpu.enqueue_dma source(%dma_start3A_130 : memref<40x128xi32, #tpu.memory_space<hbm>>) target(%arg7 : memref<40x128xi32, #tpu.memory_space<vmem>>) target_semaphore(%run_scoped3A : memref<!tpu.dma_semaphore, #tpu.memory_space<semaphore_mem>>)
      %dma_wait3A_131 = arith.constant 0 : i32
      %dma_wait3A_132 = arith.constant 0 : i32
      %dma_wait3A_133 = tpu.memref_slice %arg4[%arg0, %arg1, %dma_wait3A_131, %dma_wait3A_132] : memref<2x16x80x128xi32, #tpu.memory_space<hbm>> -> memref<1x1x40x128xi32, #tpu.memory_space<hbm>>
      %dma_wait3A_134 = tpu.memref_squeeze %dma_wait3A_133 : memref<1x1x40x128xi32, #tpu.memory_space<hbm>> -> memref<40x128xi32, #tpu.memory_space<hbm>>
      %dma_wait3A_135 = arith.constant 0 : i32
      %dma_wait3A_136 = arith.constant 0 : i32
      %dma_wait3A_137 = tpu.memref_slice %arg4[%arg0, %arg1, %dma_wait3A_135, %dma_wait3A_136] : memref<2x16x80x128xi32, #tpu.memory_space<hbm>> -> memref<1x1x40x128xi32, #tpu.memory_space<hbm>>
      %dma_wait3A_138 = tpu.memref_squeeze %dma_wait3A_137 : memref<1x1x40x128xi32, #tpu.memory_space<hbm>> -> memref<40x128xi32, #tpu.memory_space<hbm>>
      tpu.wait_dma2 semaphore(%run_scoped3A : memref<!tpu.dma_semaphore, #tpu.memory_space<semaphore_mem>>) src(%dma_wait3A_138 : memref<40x128xi32, #tpu.memory_space<hbm>>) dst(%arg7 : memref<40x128xi32, #tpu.memory_space<vmem>>)
      tpu.yield
    }) : () -> ()
    %dma_start3A_80 = arith.constant 0 : i32
    %dma_start3A_81 = arith.constant 0 : i32
    %dma_start3A_82 = tpu.memref_slice %arg6[%dma_start3A_80, %dma_start3A_81] : memref<40x128xi32, #tpu.memory_space<vmem>> -> memref<1x128xi32, #tpu.memory_space<vmem>>
    %dma_start3A_83 = tpu.memref_squeeze %dma_start3A_82 : memref<1x128xi32, #tpu.memory_space<vmem>> -> memref<128xi32, #tpu.memory_space<vmem>>
    %dma_start3A_84 = arith.constant 0 : i32
    %dma_start3A_85 = arith.constant 0 : i32
    %dma_start3A_86 = tpu.memref_slice %arg2[%dma_start3A_84, %dma_start3A_85] : memref<10000x128xf32, #tpu.memory_space<hbm>> -> memref<10000x128xf32, #tpu.memory_space<hbm>>
    tpu.enqueue_indirect_dma source(%dma_start3A_86 : memref<10000x128xf32, #tpu.memory_space<hbm>>) target(%arg8 : memref<128x128xf32, #tpu.memory_space<vmem>>) offsets(%dma_start3A_83 : memref<128xi32, #tpu.memory_space<vmem>>) semaphore(%arg11 : memref<!tpu.dma_semaphore, #tpu.memory_space<semaphore_mem>>)
    %dma_start3A_87 = arith.constant 1 : i32
    %dma_start3A_88 = arith.constant 0 : i32
    %dma_start3A_89 = tpu.memref_slice %arg6[%dma_start3A_87, %dma_start3A_88] : memref<40x128xi32, #tpu.memory_space<vmem>> -> memref<1x128xi32, #tpu.memory_space<vmem>>
    %dma_start3A_90 = tpu.memref_squeeze %dma_start3A_89 : memref<1x128xi32, #tpu.memory_space<vmem>> -> memref<128xi32, #tpu.memory_space<vmem>>
    %dma_start3A_91 = arith.constant 0 : i32
    %dma_start3A_92 = arith.constant 0 : i32
    %dma_start3A_93 = tpu.memref_slice %arg2[%dma_start3A_91, %dma_start3A_92] : memref<10000x128xf32, #tpu.memory_space<hbm>> -> memref<10000x128xf32, #tpu.memory_space<hbm>>
    tpu.enqueue_indirect_dma source(%dma_start3A_93 : memref<10000x128xf32, #tpu.memory_space<hbm>>) target(%arg9 : memref<128x128xf32, #tpu.memory_space<vmem>>) offsets(%dma_start3A_90 : memref<128xi32, #tpu.memory_space<vmem>>) semaphore(%arg12 : memref<!tpu.dma_semaphore, #tpu.memory_space<semaphore_mem>>)
    %scan3A_94 = arith.constant 0 : i32
    %scan3A_95 = arith.constant 20 : i32
    %scan3A_96 = arith.addi %scan3A_94, %scan3A_95 : i32
    %scan3A_97 = arith.constant 1 : i32
    scf.for %scan3A_123 = %scan3A_94 to %scan3A_96 step %scan3A_97  : i32 {
      %mul3A_124 = arith.constant 2 : i32
      %mul3A_125 = arith.muli %mul3A_124, %scan3A_123 : i32
      %add3A_126 = arith.constant 0 : i32
      %add3A_127 = arith.addi %mul3A_125, %add3A_126 : i32
      %dma_wait3A_128 = arith.constant 0 : i32
      %dma_wait3A_129 = tpu.memref_slice %arg6[%add3A_127, %dma_wait3A_128] : memref<40x128xi32, #tpu.memory_space<vmem>> -> memref<1x128xi32, #tpu.memory_space<vmem>>
      %dma_wait3A_130 = tpu.memref_squeeze %dma_wait3A_129 : memref<1x128xi32, #tpu.memory_space<vmem>> -> memref<128xi32, #tpu.memory_space<vmem>>
      %dma_wait3A_131 = arith.constant 0 : i32
      %dma_wait3A_132 = arith.constant 0 : i32
      %dma_wait3A_133 = tpu.memref_slice %arg2[%dma_wait3A_131, %dma_wait3A_132] : memref<10000x128xf32, #tpu.memory_space<hbm>> -> memref<10000x128xf32, #tpu.memory_space<hbm>>
      tpu.wait_indirect_dma semaphore(%arg11 : memref<!tpu.dma_semaphore, #tpu.memory_space<semaphore_mem>>) src(%dma_wait3A_133 : memref<10000x128xf32, #tpu.memory_space<hbm>>) dst(%arg8 : memref<128x128xf32, #tpu.memory_space<vmem>>)
      "tpu.region"() ({
        %run_scoped3A = tpu.sem_alloc : memref<!tpu.dma_semaphore, #tpu.memory_space<semaphore_mem>>
        %dma_start3A_155 = arith.constant 0 : i32
        %dma_start3A_156 = tpu.memref_slice %arg7[%add3A_127, %dma_start3A_155] : memref<40x128xi32, #tpu.memory_space<vmem>> -> memref<1x128xi32, #tpu.memory_space<vmem>>
        %dma_start3A_157 = tpu.memref_squeeze %dma_start3A_156 : memref<1x128xi32, #tpu.memory_space<vmem>> -> memref<128xi32, #tpu.memory_space<vmem>>
        %dma_start3A_158 = arith.constant 0 : i32
        %dma_start3A_159 = arith.constant 0 : i32
        %dma_start3A_160 = tpu.memref_slice %arg10[%dma_start3A_158, %dma_start3A_159] : memref<10240x128xf32, #tpu.memory_space<vmem_shared>> -> memref<10240x128xf32, #tpu.memory_space<vmem_shared>>
        tpu.enqueue_indirect_dma source(%arg8 : memref<128x128xf32, #tpu.memory_space<vmem>>) target(%dma_start3A_160 : memref<10240x128xf32, #tpu.memory_space<vmem_shared>>) offsets(%dma_start3A_157 : memref<128xi32, #tpu.memory_space<vmem>>) semaphore(%run_scoped3A : memref<!tpu.dma_semaphore, #tpu.memory_space<semaphore_mem>>) {add = true}
        %dma_wait3A_161 = arith.constant 0 : i32
        %dma_wait3A_162 = tpu.memref_slice %arg7[%add3A_127, %dma_wait3A_161] : memref<40x128xi32, #tpu.memory_space<vmem>> -> memref<1x128xi32, #tpu.memory_space<vmem>>
        %dma_wait3A_163 = tpu.memref_squeeze %dma_wait3A_162 : memref<1x128xi32, #tpu.memory_space<vmem>> -> memref<128xi32, #tpu.memory_space<vmem>>
        %dma_wait3A_164 = arith.constant 0 : i32
        %dma_wait3A_165 = arith.constant 0 : i32
        %dma_wait3A_166 = tpu.memref_slice %arg10[%dma_wait3A_164, %dma_wait3A_165] : memref<10240x128xf32, #tpu.memory_space<vmem_shared>> -> memref<10240x128xf32, #tpu.memory_space<vmem_shared>>
        tpu.wait_indirect_dma semaphore(%run_scoped3A : memref<!tpu.dma_semaphore, #tpu.memory_space<semaphore_mem>>) src(%arg8 : memref<128x128xf32, #tpu.memory_space<vmem>>) dst(%dma_wait3A_166 : memref<10240x128xf32, #tpu.memory_space<vmem_shared>>)
        tpu.yield
      }) : () -> ()
      %add3A_134 = arith.constant 2 : i32
      %add3A_135 = arith.addi %add3A_127, %add3A_134 : i32
      %lt3A = arith.constant 40 : i32
      %lt3A_136 = arith.cmpi slt, %add3A_135, %lt3A : i32
      %convert_element_type3A = arith.extui %lt3A_136 : i1 to i32
      %cond3A = arith.constant 0 : i32
      %cond3A_137 = arith.cmpi ne, %convert_element_type3A, %cond3A : i32
      scf.if %cond3A_137 {
        %add3A_155 = arith.constant 2 : i32
        %add3A_156 = arith.addi %add3A_127, %add3A_155 : i32
        %dma_start3A_157 = arith.constant 0 : i32
        %dma_start3A_158 = tpu.memref_slice %arg6[%add3A_156, %dma_start3A_157] : memref<40x128xi32, #tpu.memory_space<vmem>> -> memref<1x128xi32, #tpu.memory_space<vmem>>
        %dma_start3A_159 = tpu.memref_squeeze %dma_start3A_158 : memref<1x128xi32, #tpu.memory_space<vmem>> -> memref<128xi32, #tpu.memory_space<vmem>>
        %dma_start3A_160 = arith.constant 0 : i32
        %dma_start3A_161 = arith.constant 0 : i32
        %dma_start3A_162 = tpu.memref_slice %arg2[%dma_start3A_160, %dma_start3A_161] : memref<10000x128xf32, #tpu.memory_space<hbm>> -> memref<10000x128xf32, #tpu.memory_space<hbm>>
        tpu.enqueue_indirect_dma source(%dma_start3A_162 : memref<10000x128xf32, #tpu.memory_space<hbm>>) target(%arg8 : memref<128x128xf32, #tpu.memory_space<vmem>>) offsets(%dma_start3A_159 : memref<128xi32, #tpu.memory_space<vmem>>) semaphore(%arg11 : memref<!tpu.dma_semaphore, #tpu.memory_space<semaphore_mem>>)
      } else {
      }
      %mul3A_138 = arith.constant 2 : i32
      %mul3A_139 = arith.muli %mul3A_138, %scan3A_123 : i32
      %add3A_140 = arith.constant 1 : i32
      %add3A_141 = arith.addi %mul3A_139, %add3A_140 : i32
      %dma_wait3A_142 = arith.constant 0 : i32
      %dma_wait3A_143 = tpu.memref_slice %arg6[%add3A_141, %dma_wait3A_142] : memref<40x128xi32, #tpu.memory_space<vmem>> -> memref<1x128xi32, #tpu.memory_space<vmem>>
      %dma_wait3A_144 = tpu.memref_squeeze %dma_wait3A_143 : memref<1x128xi32, #tpu.memory_space<vmem>> -> memref<128xi32, #tpu.memory_space<vmem>>
      %dma_wait3A_145 = arith.constant 0 : i32
      %dma_wait3A_146 = arith.constant 0 : i32
      %dma_wait3A_147 = tpu.memref_slice %arg2[%dma_wait3A_145, %dma_wait3A_146] : memref<10000x128xf32, #tpu.memory_space<hbm>> -> memref<10000x128xf32, #tpu.memory_space<hbm>>
      tpu.wait_indirect_dma semaphore(%arg12 : memref<!tpu.dma_semaphore, #tpu.memory_space<semaphore_mem>>) src(%dma_wait3A_147 : memref<10000x128xf32, #tpu.memory_space<hbm>>) dst(%arg9 : memref<128x128xf32, #tpu.memory_space<vmem>>)
      "tpu.region"() ({
        %run_scoped3A = tpu.sem_alloc : memref<!tpu.dma_semaphore, #tpu.memory_space<semaphore_mem>>
        %dma_start3A_155 = arith.constant 0 : i32
        %dma_start3A_156 = tpu.memref_slice %arg7[%add3A_141, %dma_start3A_155] : memref<40x128xi32, #tpu.memory_space<vmem>> -> memref<1x128xi32, #tpu.memory_space<vmem>>
        %dma_start3A_157 = tpu.memref_squeeze %dma_start3A_156 : memref<1x128xi32, #tpu.memory_space<vmem>> -> memref<128xi32, #tpu.memory_space<vmem>>
        %dma_start3A_158 = arith.constant 0 : i32
        %dma_start3A_159 = arith.constant 0 : i32
        %dma_start3A_160 = tpu.memref_slice %arg10[%dma_start3A_158, %dma_start3A_159] : memref<10240x128xf32, #tpu.memory_space<vmem_shared>> -> memref<10240x128xf32, #tpu.memory_space<vmem_shared>>
        tpu.enqueue_indirect_dma source(%arg9 : memref<128x128xf32, #tpu.memory_space<vmem>>) target(%dma_start3A_160 : memref<10240x128xf32, #tpu.memory_space<vmem_shared>>) offsets(%dma_start3A_157 : memref<128xi32, #tpu.memory_space<vmem>>) semaphore(%run_scoped3A : memref<!tpu.dma_semaphore, #tpu.memory_space<semaphore_mem>>) {add = true}
        %dma_wait3A_161 = arith.constant 0 : i32
        %dma_wait3A_162 = tpu.memref_slice %arg7[%add3A_141, %dma_wait3A_161] : memref<40x128xi32, #tpu.memory_space<vmem>> -> memref<1x128xi32, #tpu.memory_space<vmem>>
        %dma_wait3A_163 = tpu.memref_squeeze %dma_wait3A_162 : memref<1x128xi32, #tpu.memory_space<vmem>> -> memref<128xi32, #tpu.memory_space<vmem>>
        %dma_wait3A_164 = arith.constant 0 : i32
        %dma_wait3A_165 = arith.constant 0 : i32
        %dma_wait3A_166 = tpu.memref_slice %arg10[%dma_wait3A_164, %dma_wait3A_165] : memref<10240x128xf32, #tpu.memory_space<vmem_shared>> -> memref<10240x128xf32, #tpu.memory_space<vmem_shared>>
        tpu.wait_indirect_dma semaphore(%run_scoped3A : memref<!tpu.dma_semaphore, #tpu.memory_space<semaphore_mem>>) src(%arg9 : memref<128x128xf32, #tpu.memory_space<vmem>>) dst(%dma_wait3A_166 : memref<10240x128xf32, #tpu.memory_space<vmem_shared>>)
        tpu.yield
      }) : () -> ()
      %add3A_148 = arith.constant 2 : i32
      %add3A_149 = arith.addi %add3A_141, %add3A_148 : i32
      %lt3A_150 = arith.constant 40 : i32
      %lt3A_151 = arith.cmpi slt, %add3A_149, %lt3A_150 : i32
      %convert_element_type3A_152 = arith.extui %lt3A_151 : i1 to i32
      %cond3A_153 = arith.constant 0 : i32
      %cond3A_154 = arith.cmpi ne, %convert_element_type3A_152, %cond3A_153 : i32
      scf.if %cond3A_154 {
        %add3A_155 = arith.constant 2 : i32
        %add3A_156 = arith.addi %add3A_141, %add3A_155 : i32
        %dma_start3A_157 = arith.constant 0 : i32
        %dma_start3A_158 = tpu.memref_slice %arg6[%add3A_156, %dma_start3A_157] : memref<40x128xi32, #tpu.memory_space<vmem>> -> memref<1x128xi32, #tpu.memory_space<vmem>>
        %dma_start3A_159 = tpu.memref_squeeze %dma_start3A_158 : memref<1x128xi32, #tpu.memory_space<vmem>> -> memref<128xi32, #tpu.memory_space<vmem>>
        %dma_start3A_160 = arith.constant 0 : i32
        %dma_start3A_161 = arith.constant 0 : i32
        %dma_start3A_162 = tpu.memref_slice %arg2[%dma_start3A_160, %dma_start3A_161] : memref<10000x128xf32, #tpu.memory_space<hbm>> -> memref<10000x128xf32, #tpu.memory_space<hbm>>
        tpu.enqueue_indirect_dma source(%dma_start3A_162 : memref<10000x128xf32, #tpu.memory_space<hbm>>) target(%arg9 : memref<128x128xf32, #tpu.memory_space<vmem>>) offsets(%dma_start3A_159 : memref<128xi32, #tpu.memory_space<vmem>>) semaphore(%arg12 : memref<!tpu.dma_semaphore, #tpu.memory_space<semaphore_mem>>)
      } else {
      }
    }
    %scan3A_98 = arith.constant 20 : i32
    "tpu.region"() ({
      %run_scoped3A = tpu.sem_alloc : memref<!tpu.dma_semaphore, #tpu.memory_space<semaphore_mem>>
      %dma_start3A_123 = arith.constant 40 : i32
      %dma_start3A_124 = arith.constant 0 : i32
      %dma_start3A_125 = tpu.memref_slice %arg3[%arg0, %arg1, %dma_start3A_123, %dma_start3A_124] : memref<2x16x80x128xi32, #tpu.memory_space<hbm>> -> memref<1x1x40x128xi32, #tpu.memory_space<hbm>>
      %dma_start3A_126 = tpu.memref_squeeze %dma_start3A_125 : memref<1x1x40x128xi32, #tpu.memory_space<hbm>> -> memref<40x128xi32, #tpu.memory_space<hbm>>
      %dma_start3A_127 = arith.constant 40 : i32
      %dma_start3A_128 = arith.constant 0 : i32
      %dma_start3A_129 = tpu.memref_slice %arg3[%arg0, %arg1, %dma_start3A_127, %dma_start3A_128] : memref<2x16x80x128xi32, #tpu.memory_space<hbm>> -> memref<1x1x40x128xi32, #tpu.memory_space<hbm>>
      %dma_start3A_130 = tpu.memref_squeeze %dma_start3A_129 : memref<1x1x40x128xi32, #tpu.memory_space<hbm>> -> memref<40x128xi32, #tpu.memory_space<hbm>>
      tpu.enqueue_dma source(%dma_start3A_130 : memref<40x128xi32, #tpu.memory_space<hbm>>) target(%arg6 : memref<40x128xi32, #tpu.memory_space<vmem>>) target_semaphore(%run_scoped3A : memref<!tpu.dma_semaphore, #tpu.memory_space<semaphore_mem>>)
      %dma_wait3A_131 = arith.constant 40 : i32
      %dma_wait3A_132 = arith.constant 0 : i32
      %dma_wait3A_133 = tpu.memref_slice %arg3[%arg0, %arg1, %dma_wait3A_131, %dma_wait3A_132] : memref<2x16x80x128xi32, #tpu.memory_space<hbm>> -> memref<1x1x40x128xi32, #tpu.memory_space<hbm>>
      %dma_wait3A_134 = tpu.memref_squeeze %dma_wait3A_133 : memref<1x1x40x128xi32, #tpu.memory_space<hbm>> -> memref<40x128xi32, #tpu.memory_space<hbm>>
      %dma_wait3A_135 = arith.constant 40 : i32
      %dma_wait3A_136 = arith.constant 0 : i32
      %dma_wait3A_137 = tpu.memref_slice %arg3[%arg0, %arg1, %dma_wait3A_135, %dma_wait3A_136] : memref<2x16x80x128xi32, #tpu.memory_space<hbm>> -> memref<1x1x40x128xi32, #tpu.memory_space<hbm>>
      %dma_wait3A_138 = tpu.memref_squeeze %dma_wait3A_137 : memref<1x1x40x128xi32, #tpu.memory_space<hbm>> -> memref<40x128xi32, #tpu.memory_space<hbm>>
      tpu.wait_dma2 semaphore(%run_scoped3A : memref<!tpu.dma_semaphore, #tpu.memory_space<semaphore_mem>>) src(%dma_wait3A_138 : memref<40x128xi32, #tpu.memory_space<hbm>>) dst(%arg6 : memref<40x128xi32, #tpu.memory_space<vmem>>)
      tpu.yield
    }) : () -> ()
    "tpu.region"() ({
      %run_scoped3A = tpu.sem_alloc : memref<!tpu.dma_semaphore, #tpu.memory_space<semaphore_mem>>
      %dma_start3A_123 = arith.constant 40 : i32
      %dma_start3A_124 = arith.constant 0 : i32
      %dma_start3A_125 = tpu.memref_slice %arg4[%arg0, %arg1, %dma_start3A_123, %dma_start3A_124] : memref<2x16x80x128xi32, #tpu.memory_space<hbm>> -> memref<1x1x40x128xi32, #tpu.memory_space<hbm>>
      %dma_start3A_126 = tpu.memref_squeeze %dma_start3A_125 : memref<1x1x40x128xi32, #tpu.memory_space<hbm>> -> memref<40x128xi32, #tpu.memory_space<hbm>>
      %dma_start3A_127 = arith.constant 40 : i32
      %dma_start3A_128 = arith.constant 0 : i32
      %dma_start3A_129 = tpu.memref_slice %arg4[%arg0, %arg1, %dma_start3A_127, %dma_start3A_128] : memref<2x16x80x128xi32, #tpu.memory_space<hbm>> -> memref<1x1x40x128xi32, #tpu.memory_space<hbm>>
      %dma_start3A_130 = tpu.memref_squeeze %dma_start3A_129 : memref<1x1x40x128xi32, #tpu.memory_space<hbm>> -> memref<40x128xi32, #tpu.memory_space<hbm>>
      tpu.enqueue_dma source(%dma_start3A_130 : memref<40x128xi32, #tpu.memory_space<hbm>>) target(%arg7 : memref<40x128xi32, #tpu.memory_space<vmem>>) target_semaphore(%run_scoped3A : memref<!tpu.dma_semaphore, #tpu.memory_space<semaphore_mem>>)
      %dma_wait3A_131 = arith.constant 40 : i32
      %dma_wait3A_132 = arith.constant 0 : i32
      %dma_wait3A_133 = tpu.memref_slice %arg4[%arg0, %arg1, %dma_wait3A_131, %dma_wait3A_132] : memref<2x16x80x128xi32, #tpu.memory_space<hbm>> -> memref<1x1x40x128xi32, #tpu.memory_space<hbm>>
      %dma_wait3A_134 = tpu.memref_squeeze %dma_wait3A_133 : memref<1x1x40x128xi32, #tpu.memory_space<hbm>> -> memref<40x128xi32, #tpu.memory_space<hbm>>
      %dma_wait3A_135 = arith.constant 40 : i32
      %dma_wait3A_136 = arith.constant 0 : i32
      %dma_wait3A_137 = tpu.memref_slice %arg4[%arg0, %arg1, %dma_wait3A_135, %dma_wait3A_136] : memref<2x16x80x128xi32, #tpu.memory_space<hbm>> -> memref<1x1x40x128xi32, #tpu.memory_space<hbm>>
      %dma_wait3A_138 = tpu.memref_squeeze %dma_wait3A_137 : memref<1x1x40x128xi32, #tpu.memory_space<hbm>> -> memref<40x128xi32, #tpu.memory_space<hbm>>
      tpu.wait_dma2 semaphore(%run_scoped3A : memref<!tpu.dma_semaphore, #tpu.memory_space<semaphore_mem>>) src(%dma_wait3A_138 : memref<40x128xi32, #tpu.memory_space<hbm>>) dst(%arg7 : memref<40x128xi32, #tpu.memory_space<vmem>>)
      tpu.yield
    }) : () -> ()
    %dma_start3A_99 = arith.constant 0 : i32
    %dma_start3A_100 = arith.constant 0 : i32
    %dma_start3A_101 = tpu.memref_slice %arg6[%dma_start3A_99, %dma_start3A_100] : memref<40x128xi32, #tpu.memory_space<vmem>> -> memref<1x128xi32, #tpu.memory_space<vmem>>
    %dma_start3A_102 = tpu.memref_squeeze %dma_start3A_101 : memref<1x128xi32, #tpu.memory_space<vmem>> -> memref<128xi32, #tpu.memory_space<vmem>>
    %dma_start3A_103 = arith.constant 0 : i32
    %dma_start3A_104 = arith.constant 0 : i32
    %dma_start3A_105 = tpu.memref_slice %arg2[%dma_start3A_103, %dma_start3A_104] : memref<10000x128xf32, #tpu.memory_space<hbm>> -> memref<10000x128xf32, #tpu.memory_space<hbm>>
    tpu.enqueue_indirect_dma source(%dma_start3A_105 : memref<10000x128xf32, #tpu.memory_space<hbm>>) target(%arg8 : memref<128x128xf32, #tpu.memory_space<vmem>>) offsets(%dma_start3A_102 : memref<128xi32, #tpu.memory_space<vmem>>) semaphore(%arg11 : memref<!tpu.dma_semaphore, #tpu.memory_space<semaphore_mem>>)
    %dma_start3A_106 = arith.constant 1 : i32
    %dma_start3A_107 = arith.constant 0 : i32
    %dma_start3A_108 = tpu.memref_slice %arg6[%dma_start3A_106, %dma_start3A_107] : memref<40x128xi32, #tpu.memory_space<vmem>> -> memref<1x128xi32, #tpu.memory_space<vmem>>
    %dma_start3A_109 = tpu.memref_squeeze %dma_start3A_108 : memref<1x128xi32, #tpu.memory_space<vmem>> -> memref<128xi32, #tpu.memory_space<vmem>>
    %dma_start3A_110 = arith.constant 0 : i32
    %dma_start3A_111 = arith.constant 0 : i32
    %dma_start3A_112 = tpu.memref_slice %arg2[%dma_start3A_110, %dma_start3A_111] : memref<10000x128xf32, #tpu.memory_space<hbm>> -> memref<10000x128xf32, #tpu.memory_space<hbm>>
    tpu.enqueue_indirect_dma source(%dma_start3A_112 : memref<10000x128xf32, #tpu.memory_space<hbm>>) target(%arg9 : memref<128x128xf32, #tpu.memory_space<vmem>>) offsets(%dma_start3A_109 : memref<128xi32, #tpu.memory_space<vmem>>) semaphore(%arg12 : memref<!tpu.dma_semaphore, #tpu.memory_space<semaphore_mem>>)
    %scan3A_113 = arith.constant 0 : i32
    %scan3A_114 = arith.constant 20 : i32
    %scan3A_115 = arith.addi %scan3A_113, %scan3A_114 : i32
    %scan3A_116 = arith.constant 1 : i32
    scf.for %scan3A_123 = %scan3A_113 to %scan3A_115 step %scan3A_116  : i32 {
      %mul3A_124 = arith.constant 2 : i32
      %mul3A_125 = arith.muli %mul3A_124, %scan3A_123 : i32
      %add3A_126 = arith.constant 0 : i32
      %add3A_127 = arith.addi %mul3A_125, %add3A_126 : i32
      %dma_wait3A_128 = arith.constant 0 : i32
      %dma_wait3A_129 = tpu.memref_slice %arg6[%add3A_127, %dma_wait3A_128] : memref<40x128xi32, #tpu.memory_space<vmem>> -> memref<1x128xi32, #tpu.memory_space<vmem>>
      %dma_wait3A_130 = tpu.memref_squeeze %dma_wait3A_129 : memref<1x128xi32, #tpu.memory_space<vmem>> -> memref<128xi32, #tpu.memory_space<vmem>>
      %dma_wait3A_131 = arith.constant 0 : i32
      %dma_wait3A_132 = arith.constant 0 : i32
      %dma_wait3A_133 = tpu.memref_slice %arg2[%dma_wait3A_131, %dma_wait3A_132] : memref<10000x128xf32, #tpu.memory_space<hbm>> -> memref<10000x128xf32, #tpu.memory_space<hbm>>
      tpu.wait_indirect_dma semaphore(%arg11 : memref<!tpu.dma_semaphore, #tpu.memory_space<semaphore_mem>>) src(%dma_wait3A_133 : memref<10000x128xf32, #tpu.memory_space<hbm>>) dst(%arg8 : memref<128x128xf32, #tpu.memory_space<vmem>>)
      "tpu.region"() ({
        %run_scoped3A = tpu.sem_alloc : memref<!tpu.dma_semaphore, #tpu.memory_space<semaphore_mem>>
        %dma_start3A_155 = arith.constant 0 : i32
        %dma_start3A_156 = tpu.memref_slice %arg7[%add3A_127, %dma_start3A_155] : memref<40x128xi32, #tpu.memory_space<vmem>> -> memref<1x128xi32, #tpu.memory_space<vmem>>
        %dma_start3A_157 = tpu.memref_squeeze %dma_start3A_156 : memref<1x128xi32, #tpu.memory_space<vmem>> -> memref<128xi32, #tpu.memory_space<vmem>>
        %dma_start3A_158 = arith.constant 0 : i32
        %dma_start3A_159 = arith.constant 0 : i32
        %dma_start3A_160 = tpu.memref_slice %arg10[%dma_start3A_158, %dma_start3A_159] : memref<10240x128xf32, #tpu.memory_space<vmem_shared>> -> memref<10240x128xf32, #tpu.memory_space<vmem_shared>>
        tpu.enqueue_indirect_dma source(%arg8 : memref<128x128xf32, #tpu.memory_space<vmem>>) target(%dma_start3A_160 : memref<10240x128xf32, #tpu.memory_space<vmem_shared>>) offsets(%dma_start3A_157 : memref<128xi32, #tpu.memory_space<vmem>>) semaphore(%run_scoped3A : memref<!tpu.dma_semaphore, #tpu.memory_space<semaphore_mem>>) {add = true}
        %dma_wait3A_161 = arith.constant 0 : i32
        %dma_wait3A_162 = tpu.memref_slice %arg7[%add3A_127, %dma_wait3A_161] : memref<40x128xi32, #tpu.memory_space<vmem>> -> memref<1x128xi32, #tpu.memory_space<vmem>>
        %dma_wait3A_163 = tpu.memref_squeeze %dma_wait3A_162 : memref<1x128xi32, #tpu.memory_space<vmem>> -> memref<128xi32, #tpu.memory_space<vmem>>
        %dma_wait3A_164 = arith.constant 0 : i32
        %dma_wait3A_165 = arith.constant 0 : i32
        %dma_wait3A_166 = tpu.memref_slice %arg10[%dma_wait3A_164, %dma_wait3A_165] : memref<10240x128xf32, #tpu.memory_space<vmem_shared>> -> memref<10240x128xf32, #tpu.memory_space<vmem_shared>>
        tpu.wait_indirect_dma semaphore(%run_scoped3A : memref<!tpu.dma_semaphore, #tpu.memory_space<semaphore_mem>>) src(%arg8 : memref<128x128xf32, #tpu.memory_space<vmem>>) dst(%dma_wait3A_166 : memref<10240x128xf32, #tpu.memory_space<vmem_shared>>)
        tpu.yield
      }) : () -> ()
      %add3A_134 = arith.constant 2 : i32
      %add3A_135 = arith.addi %add3A_127, %add3A_134 : i32
      %lt3A = arith.constant 40 : i32
      %lt3A_136 = arith.cmpi slt, %add3A_135, %lt3A : i32
      %convert_element_type3A = arith.extui %lt3A_136 : i1 to i32
      %cond3A = arith.constant 0 : i32
      %cond3A_137 = arith.cmpi ne, %convert_element_type3A, %cond3A : i32
      scf.if %cond3A_137 {
        %add3A_155 = arith.constant 2 : i32
        %add3A_156 = arith.addi %add3A_127, %add3A_155 : i32
        %dma_start3A_157 = arith.constant 0 : i32
        %dma_start3A_158 = tpu.memref_slice %arg6[%add3A_156, %dma_start3A_157] : memref<40x128xi32, #tpu.memory_space<vmem>> -> memref<1x128xi32, #tpu.memory_space<vmem>>
        %dma_start3A_159 = tpu.memref_squeeze %dma_start3A_158 : memref<1x128xi32, #tpu.memory_space<vmem>> -> memref<128xi32, #tpu.memory_space<vmem>>
        %dma_start3A_160 = arith.constant 0 : i32
        %dma_start3A_161 = arith.constant 0 : i32
        %dma_start3A_162 = tpu.memref_slice %arg2[%dma_start3A_160, %dma_start3A_161] : memref<10000x128xf32, #tpu.memory_space<hbm>> -> memref<10000x128xf32, #tpu.memory_space<hbm>>
        tpu.enqueue_indirect_dma source(%dma_start3A_162 : memref<10000x128xf32, #tpu.memory_space<hbm>>) target(%arg8 : memref<128x128xf32, #tpu.memory_space<vmem>>) offsets(%dma_start3A_159 : memref<128xi32, #tpu.memory_space<vmem>>) semaphore(%arg11 : memref<!tpu.dma_semaphore, #tpu.memory_space<semaphore_mem>>)
      } else {
      }
      %mul3A_138 = arith.constant 2 : i32
      %mul3A_139 = arith.muli %mul3A_138, %scan3A_123 : i32
      %add3A_140 = arith.constant 1 : i32
      %add3A_141 = arith.addi %mul3A_139, %add3A_140 : i32
      %dma_wait3A_142 = arith.constant 0 : i32
      %dma_wait3A_143 = tpu.memref_slice %arg6[%add3A_141, %dma_wait3A_142] : memref<40x128xi32, #tpu.memory_space<vmem>> -> memref<1x128xi32, #tpu.memory_space<vmem>>
      %dma_wait3A_144 = tpu.memref_squeeze %dma_wait3A_143 : memref<1x128xi32, #tpu.memory_space<vmem>> -> memref<128xi32, #tpu.memory_space<vmem>>
      %dma_wait3A_145 = arith.constant 0 : i32
      %dma_wait3A_146 = arith.constant 0 : i32
      %dma_wait3A_147 = tpu.memref_slice %arg2[%dma_wait3A_145, %dma_wait3A_146] : memref<10000x128xf32, #tpu.memory_space<hbm>> -> memref<10000x128xf32, #tpu.memory_space<hbm>>
      tpu.wait_indirect_dma semaphore(%arg12 : memref<!tpu.dma_semaphore, #tpu.memory_space<semaphore_mem>>) src(%dma_wait3A_147 : memref<10000x128xf32, #tpu.memory_space<hbm>>) dst(%arg9 : memref<128x128xf32, #tpu.memory_space<vmem>>)
      "tpu.region"() ({
        %run_scoped3A = tpu.sem_alloc : memref<!tpu.dma_semaphore, #tpu.memory_space<semaphore_mem>>
        %dma_start3A_155 = arith.constant 0 : i32
        %dma_start3A_156 = tpu.memref_slice %arg7[%add3A_141, %dma_start3A_155] : memref<40x128xi32, #tpu.memory_space<vmem>> -> memref<1x128xi32, #tpu.memory_space<vmem>>
        %dma_start3A_157 = tpu.memref_squeeze %dma_start3A_156 : memref<1x128xi32, #tpu.memory_space<vmem>> -> memref<128xi32, #tpu.memory_space<vmem>>
        %dma_start3A_158 = arith.constant 0 : i32
        %dma_start3A_159 = arith.constant 0 : i32
        %dma_start3A_160 = tpu.memref_slice %arg10[%dma_start3A_158, %dma_start3A_159] : memref<10240x128xf32, #tpu.memory_space<vmem_shared>> -> memref<10240x128xf32, #tpu.memory_space<vmem_shared>>
        tpu.enqueue_indirect_dma source(%arg9 : memref<128x128xf32, #tpu.memory_space<vmem>>) target(%dma_start3A_160 : memref<10240x128xf32, #tpu.memory_space<vmem_shared>>) offsets(%dma_start3A_157 : memref<128xi32, #tpu.memory_space<vmem>>) semaphore(%run_scoped3A : memref<!tpu.dma_semaphore, #tpu.memory_space<semaphore_mem>>) {add = true}
        %dma_wait3A_161 = arith.constant 0 : i32
        %dma_wait3A_162 = tpu.memref_slice %arg7[%add3A_141, %dma_wait3A_161] : memref<40x128xi32, #tpu.memory_space<vmem>> -> memref<1x128xi32, #tpu.memory_space<vmem>>
        %dma_wait3A_163 = tpu.memref_squeeze %dma_wait3A_162 : memref<1x128xi32, #tpu.memory_space<vmem>> -> memref<128xi32, #tpu.memory_space<vmem>>
        %dma_wait3A_164 = arith.constant 0 : i32
        %dma_wait3A_165 = arith.constant 0 : i32
        %dma_wait3A_166 = tpu.memref_slice %arg10[%dma_wait3A_164, %dma_wait3A_165] : memref<10240x128xf32, #tpu.memory_space<vmem_shared>> -> memref<10240x128xf32, #tpu.memory_space<vmem_shared>>
        tpu.wait_indirect_dma semaphore(%run_scoped3A : memref<!tpu.dma_semaphore, #tpu.memory_space<semaphore_mem>>) src(%arg9 : memref<128x128xf32, #tpu.memory_space<vmem>>) dst(%dma_wait3A_166 : memref<10240x128xf32, #tpu.memory_space<vmem_shared>>)
        tpu.yield
      }) : () -> ()
      %add3A_148 = arith.constant 2 : i32
      %add3A_149 = arith.addi %add3A_141, %add3A_148 : i32
      %lt3A_150 = arith.constant 40 : i32
      %lt3A_151 = arith.cmpi slt, %add3A_149, %lt3A_150 : i32
      %convert_element_type3A_152 = arith.extui %lt3A_151 : i1 to i32
      %cond3A_153 = arith.constant 0 : i32
      %cond3A_154 = arith.cmpi ne, %convert_element_type3A_152, %cond3A_153 : i32
      scf.if %cond3A_154 {
        %add3A_155 = arith.constant 2 : i32
        %add3A_156 = arith.addi %add3A_141, %add3A_155 : i32
        %dma_start3A_157 = arith.constant 0 : i32
        %dma_start3A_158 = tpu.memref_slice %arg6[%add3A_156, %dma_start3A_157] : memref<40x128xi32, #tpu.memory_space<vmem>> -> memref<1x128xi32, #tpu.memory_space<vmem>>
        %dma_start3A_159 = tpu.memref_squeeze %dma_start3A_158 : memref<1x128xi32, #tpu.memory_space<vmem>> -> memref<128xi32, #tpu.memory_space<vmem>>
        %dma_start3A_160 = arith.constant 0 : i32
        %dma_start3A_161 = arith.constant 0 : i32
        %dma_start3A_162 = tpu.memref_slice %arg2[%dma_start3A_160, %dma_start3A_161] : memref<10000x128xf32, #tpu.memory_space<hbm>> -> memref<10000x128xf32, #tpu.memory_space<hbm>>
        tpu.enqueue_indirect_dma source(%dma_start3A_162 : memref<10000x128xf32, #tpu.memory_space<hbm>>) target(%arg9 : memref<128x128xf32, #tpu.memory_space<vmem>>) offsets(%dma_start3A_159 : memref<128xi32, #tpu.memory_space<vmem>>) semaphore(%arg12 : memref<!tpu.dma_semaphore, #tpu.memory_space<semaphore_mem>>)
      } else {
      }
    }
    %scan3A_117 = arith.constant 20 : i32
    %barrier3A_118 = arith.constant 0 : index
    tpu.barrier barrier_id(%barrier3A_118)
    %mul3A_119 = arith.constant 640 : i32
    %mul3A_120 = arith.muli %arg1, %mul3A_119 : i32
    %mul3A_121 = arith.constant 640 : i32
    %mul3A_122 = arith.muli %arg1, %mul3A_121 : i32
    "tpu.region"() ({
      %run_scoped3A = tpu.sem_alloc : memref<!tpu.dma_semaphore, #tpu.memory_space<semaphore_mem>>
      %dma_start3A_123 = arith.constant 0 : i32
      %dma_start3A_124 = tpu.memref_slice %arg5[%arg0, %mul3A_122, %dma_start3A_123] : memref<2x10240x128xf32, #tpu.memory_space<hbm>> -> memref<1x640x128xf32, #tpu.memory_space<hbm>>
      %dma_start3A_125 = tpu.memref_squeeze %dma_start3A_124 : memref<1x640x128xf32, #tpu.memory_space<hbm>> -> memref<640x128xf32, #tpu.memory_space<hbm>>
      %dma_start3A_126 = arith.constant 0 : i32
      %dma_start3A_127 = tpu.memref_slice %arg10[%mul3A_120, %dma_start3A_126] : memref<10240x128xf32, #tpu.memory_space<vmem_shared>> -> memref<640x128xf32, #tpu.memory_space<vmem_shared>>
      tpu.enqueue_dma source(%dma_start3A_127 : memref<640x128xf32, #tpu.memory_space<vmem_shared>>) target(%dma_start3A_125 : memref<640x128xf32, #tpu.memory_space<hbm>>) target_semaphore(%run_scoped3A : memref<!tpu.dma_semaphore, #tpu.memory_space<semaphore_mem>>)
      %dma_wait3A_128 = arith.constant 0 : i32
      %dma_wait3A_129 = tpu.memref_slice %arg5[%arg0, %mul3A_122, %dma_wait3A_128] : memref<2x10240x128xf32, #tpu.memory_space<hbm>> -> memref<1x640x128xf32, #tpu.memory_space<hbm>>
      %dma_wait3A_130 = tpu.memref_squeeze %dma_wait3A_129 : memref<1x640x128xf32, #tpu.memory_space<hbm>> -> memref<640x128xf32, #tpu.memory_space<hbm>>
      %dma_wait3A_131 = arith.constant 0 : i32
      %dma_wait3A_132 = tpu.memref_slice %arg10[%mul3A_120, %dma_wait3A_131] : memref<10240x128xf32, #tpu.memory_space<vmem_shared>> -> memref<640x128xf32, #tpu.memory_space<vmem_shared>>
      tpu.wait_dma2 semaphore(%run_scoped3A : memref<!tpu.dma_semaphore, #tpu.memory_space<semaphore_mem>>) src(%dma_wait3A_132 : memref<640x128xf32, #tpu.memory_space<vmem_shared>>) dst(%dma_wait3A_130 : memref<640x128xf32, #tpu.memory_space<hbm>>)
      tpu.yield
    }) : () -> ()
    return
  }
}

module attributes {stable_mosaic.version = 14 : i64} {
  func.func @_mm_body(%arg0: memref<10000x128xf32, #tpu.memory_space<vmem>>, %arg1: memref<128x32xf32, #tpu.memory_space<vmem>>, %arg2: memref<10000x32xf32, #tpu.memory_space<vmem>>) attributes {dimension_semantics = [], scalar_prefetch = 0 : i64, scratch_operands = 0 : i64, tpu.core_type = #tpu.core_type<tc>} {
    %get3A = arith.constant 0 : index
    %get3A_0 = arith.constant 0 : index
    %get3A_1 = vector.load %arg0[%get3A, %get3A_0] : memref<10000x128xf32, #tpu.memory_space<vmem>>, vector<10000x128xf32>
    %get3A_2 = arith.constant 0 : index
    %get3A_3 = arith.constant 0 : index
    %get3A_4 = vector.load %arg1[%get3A_2, %get3A_3] : memref<128x32xf32, #tpu.memory_space<vmem>>, vector<128x32xf32>
    %dot_general3A = arith.constant dense<0.000000e+00> : vector<10000x32xf32>
    %dot_general3A_5 = tpu.matmul %get3A_1, %get3A_4, %dot_general3A {dimension_numbers = #tpu.dot_dimension_numbers<[1], [0], [0], [1], [0, 0, 1, 1], [], []>, transpose_lhs_hint = false} : vector<10000x128xf32>, vector<128x32xf32>, vector<10000x32xf32> -> vector<10000x32xf32>
    %swap3A = arith.constant 0 : index
    %swap3A_6 = arith.constant 0 : index
    %swap3A_7 = vector.load %arg2[%swap3A, %swap3A_6] : memref<10000x32xf32, #tpu.memory_space<vmem>>, vector<10000x32xf32>
    tpu.vector_store %arg2[%swap3A, %swap3A_6], %dot_general3A_5 {strides = array<i32>} : memref<10000x32xf32, #tpu.memory_space<vmem>>, vector<10000x32xf32>,
    return
  }
}

module attributes {stable_mosaic.version = 14 : i64} {
  func.func @_scale_body(%arg0: memref<2x10240xf32, #tpu.memory_space<vmem>>, %arg1: memref<10000x32xf32, #tpu.memory_space<vmem>>, %arg2: memref<10000x1xf32, #tpu.memory_space<vmem>>, %arg3: memref<10000x128xf32, #tpu.memory_space<vmem>>) attributes {dimension_semantics = [], scalar_prefetch = 0 : i64, scratch_operands = 0 : i64, tpu.core_type = #tpu.core_type<tc>} {
    %get3A = arith.constant 0 : index
    %get3A_0 = arith.constant 0 : index
    %get3A_1 = vector.load %arg0[%get3A, %get3A_0] : memref<2x10240xf32, #tpu.memory_space<vmem>>, vector<1x10240xf32>
    %get3A_2 = vector.shape_cast %get3A_1 : vector<1x10240xf32> to vector<10240xf32>
    %get3A_3 = arith.constant 1 : index
    %get3A_4 = arith.constant 0 : index
    %get3A_5 = vector.load %arg0[%get3A_3, %get3A_4] : memref<2x10240xf32, #tpu.memory_space<vmem>>, vector<1x10240xf32>
    %get3A_6 = vector.shape_cast %get3A_5 : vector<1x10240xf32> to vector<10240xf32>
    %add3A = arith.addf %get3A_2, %get3A_6 : vector<10240xf32>
    %slice3A = vector.extract_strided_slice %add3A {offsets = [0], sizes = [10000], strides = [1]} : vector<10240xf32> to vector<10000xf32>
    %add3A_7 = arith.constant 1.000000e+00 : f32
    %add3A_8 = vector.broadcast %add3A_7 : f32 to vector<10000xf32>
    %add3A_9 = arith.addf %slice3A, %add3A_8 : vector<10000xf32>
    %rsqrt3A = math.rsqrt %add3A_9 : vector<10000xf32>
    %reshape3A = vector.shape_cast %rsqrt3A : vector<10000xf32> to vector<10000x1xf32>
    %swap3A = arith.constant 0 : index
    %swap3A_10 = arith.constant 0 : index
    %swap3A_11 = vector.load %arg2[%swap3A, %swap3A_10] : memref<10000x1xf32, #tpu.memory_space<vmem>>, vector<10000x1xf32>
    tpu.vector_store %arg2[%swap3A, %swap3A_10], %reshape3A {strides = array<i32>} : memref<10000x1xf32, #tpu.memory_space<vmem>>, vector<10000x1xf32>,
    %get3A_12 = arith.constant 0 : index
    %get3A_13 = arith.constant 0 : index
    %get3A_14 = vector.load %arg1[%get3A_12, %get3A_13] : memref<10000x32xf32, #tpu.memory_space<vmem>>, vector<10000x32xf32>
    %mul3A = vector.broadcast %reshape3A : vector<10000x1xf32> to vector<10000x32xf32>
    %mul3A_15 = arith.mulf %get3A_14, %mul3A : vector<10000x32xf32>
    %broadcast_in_dim3A = arith.constant 0.000000e+00 : f32
    %broadcast_in_dim3A_16 = vector.broadcast %broadcast_in_dim3A : f32 to vector<10000x96xf32>
    %concatenate3A = tpu.concatenate %mul3A_15, %broadcast_in_dim3A_16 in 1 : vector<10000x32xf32>, vector<10000x96xf32> -> vector<10000x128xf32>
    %swap3A_17 = arith.constant 0 : index
    %swap3A_18 = arith.constant 0 : index
    %swap3A_19 = vector.load %arg3[%swap3A_17, %swap3A_18] : memref<10000x128xf32, #tpu.memory_space<vmem>>, vector<10000x128xf32>
    tpu.vector_store %arg3[%swap3A_17, %swap3A_18], %concatenate3A {strides = array<i32>} : memref<10000x128xf32, #tpu.memory_space<vmem>>, vector<10000x128xf32>,
    return
  }
}

module attributes {stable_mosaic.version = 14 : i64} {
  func.func @_relu_scale_body(%arg0: memref<2x10240x128xf32, #tpu.memory_space<vmem>>, %arg1: memref<10000x128xf32, #tpu.memory_space<vmem>>, %arg2: memref<10000x1xf32, #tpu.memory_space<vmem>>, %arg3: memref<1x32xf32, #tpu.memory_space<vmem>>, %arg4: memref<10000x128xf32, #tpu.memory_space<vmem>>) attributes {dimension_semantics = [], scalar_prefetch = 0 : i64, scratch_operands = 0 : i64, tpu.core_type = #tpu.core_type<tc>} {
    %get3A = arith.constant 0 : index
    %get3A_0 = arith.constant 0 : index
    %get3A_1 = arith.constant 0 : index
    %get3A_2 = vector.load %arg0[%get3A, %get3A_0, %get3A_1] : memref<2x10240x128xf32, #tpu.memory_space<vmem>>, vector<1x10240x128xf32>
    %get3A_3 = vector.shape_cast %get3A_2 : vector<1x10240x128xf32> to vector<10240x128xf32>
    %slice3A = vector.extract_strided_slice %get3A_3 {offsets = [0, 0], sizes = [10000, 128], strides = [1, 1]} : vector<10240x128xf32> to vector<10000x128xf32>
    %get3A_4 = arith.constant 1 : index
    %get3A_5 = arith.constant 0 : index
    %get3A_6 = arith.constant 0 : index
    %get3A_7 = vector.load %arg0[%get3A_4, %get3A_5, %get3A_6] : memref<2x10240x128xf32, #tpu.memory_space<vmem>>, vector<1x10240x128xf32>
    %get3A_8 = vector.shape_cast %get3A_7 : vector<1x10240x128xf32> to vector<10240x128xf32>
    %slice3A_9 = vector.extract_strided_slice %get3A_8 {offsets = [0, 0], sizes = [10000, 128], strides = [1, 1]} : vector<10240x128xf32> to vector<10000x128xf32>
    %add3A = arith.addf %slice3A, %slice3A_9 : vector<10000x128xf32>
    %get3A_10 = arith.constant 0 : index
    %get3A_11 = arith.constant 0 : index
    %get3A_12 = vector.load %arg3[%get3A_10, %get3A_11] : memref<1x32xf32, #tpu.memory_space<vmem>>, vector<1x32xf32>
    %broadcast_in_dim3A = arith.constant 0.000000e+00 : f32
    %broadcast_in_dim3A_13 = vector.broadcast %broadcast_in_dim3A : f32 to vector<1x96xf32>
    %concatenate3A = tpu.concatenate %get3A_12, %broadcast_in_dim3A_13 in 1 : vector<1x32xf32>, vector<1x96xf32> -> vector<1x128xf32>
    %get3A_14 = arith.constant 0 : index
    %get3A_15 = arith.constant 0 : index
    %get3A_16 = vector.load %arg2[%get3A_14, %get3A_15] : memref<10000x1xf32, #tpu.memory_space<vmem>>, vector<10000x1xf32>
    %get3A_17 = arith.constant 0 : index
    %get3A_18 = arith.constant 0 : index
    %get3A_19 = vector.load %arg1[%get3A_17, %get3A_18] : memref<10000x128xf32, #tpu.memory_space<vmem>>, vector<10000x128xf32>
    %add3A_20 = arith.addf %add3A, %get3A_19 : vector<10000x128xf32>
    %mul3A = vector.broadcast %get3A_16 : vector<10000x1xf32> to vector<10000x128xf32>
    %mul3A_21 = arith.mulf %mul3A, %add3A_20 : vector<10000x128xf32>
    %add3A_22 = vector.broadcast %concatenate3A : vector<1x128xf32> to vector<10000x128xf32>
    %add3A_23 = arith.addf %mul3A_21, %add3A_22 : vector<10000x128xf32>
    %max3A = arith.constant 0.000000e+00 : f32
    %max3A_24 = vector.broadcast %max3A : f32 to vector<10000x128xf32>
    %max3A_25 = arith.maximumf %add3A_23, %max3A_24 : vector<10000x128xf32>
    %mul3A_26 = vector.broadcast %get3A_16 : vector<10000x1xf32> to vector<10000x128xf32>
    %mul3A_27 = arith.mulf %max3A_25, %mul3A_26 : vector<10000x128xf32>
    %swap3A = arith.constant 0 : index
    %swap3A_28 = arith.constant 0 : index
    %swap3A_29 = vector.load %arg4[%swap3A, %swap3A_28] : memref<10000x128xf32, #tpu.memory_space<vmem>>, vector<10000x128xf32>
    tpu.vector_store %arg4[%swap3A, %swap3A_28], %mul3A_27 {strides = array<i32>} : memref<10000x128xf32, #tpu.memory_space<vmem>>, vector<10000x128xf32>,
    return
  }
}

module attributes {stable_mosaic.version = 14 : i64} {
  func.func @_final_body(%arg0: memref<2x10240x128xf32, #tpu.memory_space<vmem>>, %arg1: memref<10000x128xf32, #tpu.memory_space<vmem>>, %arg2: memref<10000x1xf32, #tpu.memory_space<vmem>>, %arg3: memref<32x32xf32, #tpu.memory_space<vmem>>, %arg4: memref<1x32xf32, #tpu.memory_space<vmem>>, %arg5: memref<10000x16xf32, #tpu.memory_space<vmem>>, %arg6: memref<10000x16xf32, #tpu.memory_space<vmem>>) attributes {dimension_semantics = [], scalar_prefetch = 0 : i64, scratch_operands = 0 : i64, tpu.core_type = #tpu.core_type<tc>} {
    %get3A = arith.constant 0 : index
    %get3A_0 = arith.constant 0 : index
    %get3A_1 = arith.constant 0 : index
    %get3A_2 = vector.load %arg0[%get3A, %get3A_0, %get3A_1] : memref<2x10240x128xf32, #tpu.memory_space<vmem>>, vector<1x10240x128xf32>
    %get3A_3 = vector.shape_cast %get3A_2 : vector<1x10240x128xf32> to vector<10240x128xf32>
    %slice3A = vector.extract_strided_slice %get3A_3 {offsets = [0, 0], sizes = [10000, 32], strides = [1, 1]} : vector<10240x128xf32> to vector<10000x32xf32>
    %get3A_4 = arith.constant 1 : index
    %get3A_5 = arith.constant 0 : index
    %get3A_6 = arith.constant 0 : index
    %get3A_7 = vector.load %arg0[%get3A_4, %get3A_5, %get3A_6] : memref<2x10240x128xf32, #tpu.memory_space<vmem>>, vector<1x10240x128xf32>
    %get3A_8 = vector.shape_cast %get3A_7 : vector<1x10240x128xf32> to vector<10240x128xf32>
    %slice3A_9 = vector.extract_strided_slice %get3A_8 {offsets = [0, 0], sizes = [10000, 32], strides = [1, 1]} : vector<10240x128xf32> to vector<10000x32xf32>
    %add3A = arith.addf %slice3A, %slice3A_9 : vector<10000x32xf32>
    %get3A_10 = arith.constant 0 : index
    %get3A_11 = arith.constant 0 : index
    %get3A_12 = vector.load %arg2[%get3A_10, %get3A_11] : memref<10000x1xf32, #tpu.memory_space<vmem>>, vector<10000x1xf32>
    %get3A_13 = arith.constant 0 : index
    %get3A_14 = arith.constant 0 : index
    %get3A_15 = vector.load %arg1[%get3A_13, %get3A_14] : memref<10000x128xf32, #tpu.memory_space<vmem>>, vector<10000x32xf32>
    %add3A_16 = arith.addf %add3A, %get3A_15 : vector<10000x32xf32>
    %mul3A = vector.broadcast %get3A_12 : vector<10000x1xf32> to vector<10000x32xf32>
    %mul3A_17 = arith.mulf %mul3A, %add3A_16 : vector<10000x32xf32>
    %get3A_18 = arith.constant 0 : index
    %get3A_19 = arith.constant 0 : index
    %get3A_20 = vector.load %arg3[%get3A_18, %get3A_19] : memref<32x32xf32, #tpu.memory_space<vmem>>, vector<32x32xf32>
    %dot_general3A = arith.constant dense<0.000000e+00> : vector<10000x32xf32>
    %dot_general3A_21 = tpu.matmul %mul3A_17, %get3A_20, %dot_general3A {dimension_numbers = #tpu.dot_dimension_numbers<[1], [0], [0], [1], [0, 0, 1, 1], [], []>, transpose_lhs_hint = false} : vector<10000x32xf32>, vector<32x32xf32>, vector<10000x32xf32> -> vector<10000x32xf32>
    %get3A_22 = arith.constant 0 : index
    %get3A_23 = arith.constant 0 : index
    %get3A_24 = vector.load %arg4[%get3A_22, %get3A_23] : memref<1x32xf32, #tpu.memory_space<vmem>>, vector<1x32xf32>
    %add3A_25 = vector.broadcast %get3A_24 : vector<1x32xf32> to vector<10000x32xf32>
    %add3A_26 = arith.addf %dot_general3A_21, %add3A_25 : vector<10000x32xf32>
    %slice3A_27 = vector.extract_strided_slice %add3A_26 {offsets = [0, 0], sizes = [10000, 16], strides = [1, 1]} : vector<10000x32xf32> to vector<10000x16xf32>
    %swap3A = arith.constant 0 : index
    %swap3A_28 = arith.constant 0 : index
    %swap3A_29 = vector.load %arg5[%swap3A, %swap3A_28] : memref<10000x16xf32, #tpu.memory_space<vmem>>, vector<10000x16xf32>
    tpu.vector_store %arg5[%swap3A, %swap3A_28], %slice3A_27 {strides = array<i32>} : memref<10000x16xf32, #tpu.memory_space<vmem>>, vector<10000x16xf32>,
    %slice3A_30 = vector.extract_strided_slice %add3A_26 {offsets = [0, 16], sizes = [10000, 16], strides = [1, 1]} : vector<10000x32xf32> to vector<10000x16xf32>
    %swap3A_31 = arith.constant 0 : index
    %swap3A_32 = arith.constant 0 : index
    %swap3A_33 = vector.load %arg6[%swap3A_31, %swap3A_32] : memref<10000x16xf32, #tpu.memory_space<vmem>>, vector<10000x16xf32>
    tpu.vector_store %arg6[%swap3A_31, %swap3A_32], %slice3A_30 {strides = array<i32>} : memref<10000x16xf32, #tpu.memory_space<vmem>>, vector<10000x16xf32>,
    return
  }
}

</mosaic_0001>

<sc_bundles>
// kernel: kernel.12.cloned.1.call-start
scs
__scs_entry_jumppad:
0x0: {  	(pc) =	sbr.rel $0x88, $3  }
0x1: {  	(tag) =	ssettag $0x0;
	lr =	simm.s32 $0x1  }
0x2: {  	[smem:$0x3F99] =	sst lr;
	_ =	strace $0xD0000000  }
0x3: {  	_ = 	snop  }
0x4: {  	_ = 	snop  }
0x5: {  	_ = 	snop  }
0x6: {  	_ = 	snop  }
0x7: {  	_ = 	snop  }
__scs_overlays_trampoline_lowered:
0x8: {  	[smem:$0x3FA8] =	sst s0  }
0x9: {  	[smem:$0x3FA9] =	sst s1  }
0xa: {  	[smem:$0x3FAA] =	sst s2  }
0xb: {  	[smem:$0x3FAB] =	sst s3  }
0xc: {  	[smem:$0x3FAC] =	sst s4  }
0xd: {  	[smem:$0x3FAD] =	sst s5  }
0xe: {  	[smem:$0x3FAE] =	sst s6  }
0xf: {  	[smem:$0x3FAF] =	sst s7  }
0x10: {  	[smem:$0x3FB0] =	sst s8  }
0x11: {  	[smem:$0x3FB1] =	sst s9;
	s0 =	simm.s32 @!p0 $0x0  }
0x12: {  	s1 =	sld [smem:$0x3F97];
	s0 =	simm.s32 @p0 $0x1  }
0x13: {  	[smem:$0x3FB2] =	sst s0;
	s0 =	simm.s32 @!p1 $0x0  }
0x14: {  	s2 =	sld [smem:$0x3F96];
	s0 =	simm.s32 @p1 $0x1  }
0x15: {  	[smem:$0x3FB3] =	sst s0;
	s0 =	simm.s32 @!p2 $0x0  }
0x16: {  	s3 =	sld [smem:$0x3FDB];
	s0 =	simm.s32 @p2 $0x1  }
0x17: {  	s4 =	simm.s32 $0x1BF5;
	[smem:$0x3FB5] =	sst s0  }
0x18: {  	s0 =	sld [smem:$0x3F98];
	_ =	swait.ge [sflag:s4], $0x0  }
0x19: {  	s7 =	sld [smem:$0x3F99]  }
0x1a: {  	s8 =	sadd.s32 $0xFFFFE003, lr  }
0x1b: {  	s9 =	sadd.s32 $0xFFFFFEF7, lr;
	s5 =	simm.s32 $0xFFFFFFFF;
	p2 =	slt.u32 s8, $0xFFFFF086  }
0x1c: {  	p1 =	slt.u32 s9, $0xF7A;
	s5 =	simm.s32 @!p2 $0x0  }
0x1d: {  	s5 =	simm.s32 @p1 $0x1;
	p0 =	seq.s32 s7, s2  }
0x1e: {  	s7 =	smul.u32 @!p0 $0xF7A, s2;
	p2 =	seq.s32 @!p0 s5, $0x0  }
0x1f: {  	s9 =	smul.u32 $0xF7A, s1;
	s8 =	simm.s32 @!p0 $0x1BF5;
	p2 =	por !p2, p0  }
0x20: {  	[sflag:s8] =	ssyncset.s32 @!p0 $0xFFFFF086;
	s6 =	sadd.s32 @!p0 s3, s7;
	s7 =	simm.s32 @!p0 $0x108  }
0x21: {  	s3 =	sadd.s32 s3, s9;
	s6 =	sadd.s32 @!p0 $0x88, s6;
	s7 =	simm.s32 @p2 $0x1082  }
0x22: {  	[simem:s7], [sflag:s8] =	dma.local @!p0 [hbm:s6], $0xF7A  }
0x23: {  	s9 =	sor.u32 $0xD0000000, s2;
	s6 =	simm.s32 $0x108;
	_ =	swait.ge @!p0 [sflag:s8], $0x0  }
0x24: {  	s3 =	sadd.s32 $0x88, s3;
	s6 =	simm.s32 @!p1 $0x1082;
	[sflag:s4] =	ssyncset.s32 $0xFFFFF086  }
0x25: {  	[simem:s6], [sflag:s4] =	dma.local [hbm:s3], $0xF7A  }
0x26: {  	[smem:$0x3F99] =	sst s1;
	(tag) =	ssettag s2;
	_ =	strace s9  }
0x27: {  	s1 =	sld [smem:$0x3FA9]  }
0x28: {  	s2 =	sld [smem:$0x3FAA]  }
0x29: {  	s4 =	sld [smem:$0x3FAC]  }
0x2a: {  	p0 =	seq.s32 s5, $0x0;
	s5 =	sld [smem:$0x3FAD]  }
0x2b: {  	s6 =	sld [smem:$0x3FAE]  }
0x2c: {  	s7 =	sld [smem:$0x3FAF]  }
0x2d: {  	s3 =	simm.s32 $0x108;
	s8 =	sld [smem:$0x3FB0]  }
0x2e: {  	s3 =	simm.s32 @!p0 $0x1082;
	s9 =	sld [smem:$0x3FB1]  }
0x2f: {  	lr =	sadd.s32 s0, s3;
	s0 =	sld [smem:$0x3FA8]  }
0x30: {  	s3 =	sld [smem:$0x3FAB]  }
0x31: {  	[smem:$0x3FB4] =	sst s10  }
0x32: {  	s10 =	sld [smem:$0x3FB2];
	_ =	sdelay $0x3  }
0x33: {  	p0 =	seq.s32 s10, $0x1;
	s10 =	sld [smem:$0x3FB4];
	_ =	sdelay $0x3  }
0x34: {  	[smem:$0x3FB4] =	sst s10  }
0x35: {  	s10 =	sld [smem:$0x3FB3];
	_ =	sdelay $0x3  }
0x36: {  	p1 =	seq.s32 s10, $0x1;
	s10 =	sld [smem:$0x3FB4];
	_ =	sdelay $0x3  }
0x37: {  	[smem:$0x3FB4] =	sst s10  }
0x38: {  	s10 =	sld [smem:$0x3FB5]  }
0x39: {  	_ = 	snop;
	(pc) =	sbr.ind lr, $3  }
0x3a: {  	_ = 	snop  }
0x3b: {  	_ = 	snop  }
0x3c: {  	p2 =	seq.s32 s10, $0x1;
	s10 =	sld [smem:$0x3FB4]  }
0x3d: {  	_ =	shalt  }
0x3e: {  	_ =	shalt  }
0x3f: {  	_ =	shalt  }
0x40: {  	_ =	shalt  }
0x41: {  	_ =	shalt  }
0x42: {  	_ =	shalt  }
0x43: {  	_ =	shalt  }
0x44: {  	_ =	shalt  }
0x45: {  	_ =	shalt  }
0x46: {  	_ =	shalt  }
0x47: {  	_ =	shalt  }
0x48: {  	_ =	shalt  }
0x49: {  	_ =	shalt  }
0x4a: {  	_ =	shalt  }
0x4b: {  	_ =	shalt  }
0x4c: {  	_ =	shalt  }
0x4d: {  	_ =	shalt  }
0x4e: {  	_ =	shalt  }
0x4f: {  	_ =	shalt  }
0x50: {  	_ =	shalt  }
0x51: {  	_ =	shalt  }
0x52: {  	_ =	shalt  }
0x53: {  	_ =	shalt  }
0x54: {  	_ =	shalt  }
0x55: {  	_ =	shalt  }
0x56: {  	_ =	shalt  }
0x57: {  	_ =	shalt  }
0x58: {  	_ =	shalt  }
0x59: {  	_ =	shalt  }
0x5a: {  	_ =	shalt  }
0x5b: {  	_ =	shalt  }
0x5c: {  	_ =	shalt  }
0x5d: {  	_ =	shalt  }
0x5e: {  	_ =	shalt  }
0x5f: {  	_ =	shalt  }
0x60: {  	_ =	shalt  }
0x61: {  	_ =	shalt  }
0x62: {  	_ =	shalt  }
0x63: {  	_ =	shalt  }
0x64: {  	_ =	shalt  }
0x65: {  	_ =	shalt  }
0x66: {  	_ =	shalt  }
0x67: {  	_ =	shalt  }
0x68: {  	_ =	shalt  }
0x69: {  	_ =	shalt  }
0x6a: {  	_ =	shalt  }
0x6b: {  	_ =	shalt  }
0x6c: {  	_ =	shalt  }
0x6d: {  	_ =	shalt  }
0x6e: {  	_ =	shalt  }
0x6f: {  	_ =	shalt  }
0x70: {  	_ =	shalt  }
0x71: {  	_ =	shalt  }
0x72: {  	_ =	shalt  }
0x73: {  	_ =	shalt  }
0x74: {  	_ =	shalt  }
0x75: {  	_ =	shalt  }
0x76: {  	_ =	shalt  }
0x77: {  	_ =	shalt  }
0x78: {  	_ =	shalt  }
0x79: {  	_ =	shalt  }
0x7a: {  	_ =	shalt  }
0x7b: {  	_ =	shalt  }
0x7c: {  	_ =	shalt  }
0x7d: {  	_ =	shalt  }
0x7e: {  	_ =	shalt  }
0x7f: {  	_ =	shalt  }
0x80: {  	_ =	shalt  }
0x81: {  	_ =	shalt  }
0x82: {  	_ =	shalt  }
0x83: {  	_ =	shalt  }
0x84: {  	_ =	shalt  }
0x85: {  	_ =	shalt  }
0x86: {  	_ =	shalt  }
0x87: {  	_ =	shalt  }
.Lfunc_end0:
.L_simem_size_0:
called_computation.1_lowered:
.L_overlay_start_0:
0x88: {  	s2 =	sld [smem:$0x3FD9]  }
0x89: {  	s3 =	sld [smem:$0x3FFE];
	_ =	sdelay $0x1  }
0x8a: {  	s1 =	srdreg.scid  }
0x8b: {  	s0 =	sand.u32 $0x1, s1  }
0x8c: {  	s16 =	sshll.u32 s0, $0xA;
	s2 =	sadd.s32 s3, s2  }
0x8d: {  	s2 =	sadd.s32 s2, s16  }
0x8e: {  	[smem:$0x3FC0] =	sst s2  }
0x8f: {  	_ = 	snop  }
0x90: {  	(tm) =	ssettm $0x1  }
0x91: {  	s17 =	sld [smem:$0x3FFB];
	_ =	sdelay $0x3  }
0x92: {  	_ =	strace s17  }
0x93: {  	s2 =	sld [smem:$0x3FFC];
	_ =	sdelay $0x3  }
0x94: {  	_ =	strace s2  }
0x95: {  	s2 =	sld [smem:$0x3FFD];
	_ =	sdelay $0x3  }
0x96: {  	_ =	strace s2  }
0x97: {  	_ =	strace $0x8FFFFFFF  }
0x98: {  	s18 =	sld [smem:$0x3FDB];
	_ =	sdelay $0x1  }
0x99: {  	s19 =	simm.s32 $_scs_section_size  }
0x9a: {  	s4 =	simm.s32 $_size__tile_overlayer_lowered;
	s5 =	simm.s32 $_tile_overlayer_lowered  }
0x9b: {  	s22 =	simm.s32 $0x1BFF;
	s21 =	sshll.u32 s5, $0x1;
	s2 =	sadd.s32 s19, s18  }
0x9c: {  	s6 =	simm.s32 $0x0;
	s20 =	sshll.u32 s4, $0x1;
	s4 =	sadd.s32 s21, s2  }
0x9d: {  	[timem:s6], [sflag:s22] =	dma.local [hbm:s4], s20  }
0x9e: {  	_ =	swait.ge [sflag:s22], s20  }
0x9f: {  	s3 =	ssub.s32 $0x0, s20;
	[sflag:s22] =	ssyncset.done $0x0  }
0xa0: {  	[sflag:s22] =	ssyncadd.s32 s3;
	_ =	sdelay $0x1  }
0xa1: {  	s23 =	simm.s32 $0x1B8B  }
0xa2: {  	_ =	swait.ge [sflag:s23], $0x1  }
0xa3: {  	[sflag:s23] =	ssyncset.done $0x0  }
0xa4: {  	s25 =	simm.s32 $0x1B8E;
	s24 =	sld [smem:$0x3FFE];
	[sflag:s23] =	ssyncadd.s32 $0xFFFFFFFF  }
0xa5: {  	s26 =	simm.s32 $execute0_lowered;
	[smem:$0x3FD2] =	sst s25  }
0xa6: {  	s4 =	sshll.u32 s26, $0x1;
	_ =	strace $0x80000049;
	[dreg:$0x1] =	wrdreg $0xFFFFFFFF  }
0xa7: {  	s28 =	simm.s32 $_size_execute0_lowered;
	s2 =	sadd.s32 s2, s4;
	[dreg:$0x0] =	wrdreg $0x0  }
0xa8: {  	s4 =	sshll.u32 s28, $0x1;
	[dreg:$0x2] =	wrdreg s2  }
0xa9: {  	[dreg:$0x3] =	wrdreg s4  }
0xaa: {  	[dreg:$0x4] =	wrdreg $0xC0  }
0xab: {  	_ =	task [dreg:s6], $0x5FFFF  }
0xac: {  	[dreg:$0x1] =	wrdreg $0xFFFFFFFF  }
0xad: {  	[dreg:$0x0] =	wrdreg $0x60  }
0xae: {  	[dreg:$0x2] =	wrdreg s24  }
0xaf: {  	[dreg:$0x3] =	wrdreg $0xA8000  }
0xb0: {  	[dreg:$0x4] =	wrdreg $0x9  }
0xb1: {  	_ =	task.clear_ibuf [dreg:s6], $0x5FFFF;
	_ =	strace $0x90000049  }
0xb2: {  	s29 =	simm.s32 $0x9;
	_ =	strace $0x8000004B  }
0xb3: {  	_ =	swait.ge [sflag:s29], $0x1  }
0xb4: {  	[sflag:s29] =	ssyncadd.s32 $0xFFFFFFFF  }
0xb5: {  	_ =	strace $0x9000004B  }
0xb6: {  	_ =	sfence  }
0xb7: {  	s30 =	sld [smem:$0x0];
	_ =	sdelay $0x2  }
0xb8: {  	s31 =	sshll.u32 s1, $0xD;
	s1 =	sshrl.u32 s1, $0x2  }
0xb9: {  	s3 =	sand.u32 $0x4000, s31;
	s1 =	sadd.s32 s1, s30  }
0xba: {  	s0 =	sor.u32 s3, s0;
	s1 =	sshll.u32 s1, $0x11  }
0xbb: {  	s0 =	sor.u32 s1, s0  }
0xbc: {  	s0 =	sadd.s32 $0x8F2B, s0  }
0xbd: {  	[sflag:s0] =	ssyncadd.remote.s32 $0x1  }
0xbe: {  	_ =	sfence.sel $0xFFFF  }
0xbf: {  	[dreg:$0x0] =	wrdreg $0xFFFFFFFF;
	(pc) =	sbr.abs _section_cstart, $3  }
0xc0: {  	[dreg:$0x1] =	wrdreg $0xFFFFFFFF  }
0xc1: {  	_ =	task.clear_ibuf [dreg:s6], $0x2FFFF;
	_ =	strace $0x9FFFFFFF  }
0xc2: {  	(tm) =	ssettm $0x7FFFFFFF  }
0xc3: {  	_ =	shalt  }
tec
execute0_lowered:
.L_overlay_start_1:
0x0: {  	(tag) =	ssettag $0x1  }
0x1: {  	s5 =	rddreg [dreg:$0x0]  }
0x2: {  	s1 =	rddreg [dreg:$0x1];
	s2 =	srdreg.scid  }
0x3: {  	s0 =	rddreg [dreg:$0x2];
	s3 =	simm.s32 $0x0;
	s17 =	simm.s32 $0x1  }
0x4: {  	s18 =	simm.s32 $0x3;
	s19 =	simm.s32 $0x1400;
	s20 =	simm.s32 $0x80  }
0x5: {  	s21 =	simm.s32 $0x6800;
	s22 =	simm.s32 $0x2;
	s6 =	sand.u32 $0x1, s2  }
0x6: {  	s23 =	simm.s32 $0x2700;
	s2 =	stileid.u32;
	s7 =	smul.u32 $0x140000, s6  }
0x7: {  	s24 =	simm.s32 $0x2780;
	s25 =	simm.s32 $0x0;
	s8 =	smul.u32 $0x14000, s2  }
0x8: {  	[smem:$0x7FF] =	sst s3;
	s4 =	sadd.s32 $0x17800, s5;
	s30 =	smul.u32 $0x50000, s2  }
0x9: {  	s12 =	sadd.s32 $0xD800, s5;
	s13 =	sadd.s32 $0x3800, s5;
	s9 =	smul.u32 $0x28000, s6  }
0xa: {  	_ =	strace $0x8000004A;
	s6 =	ssub.s32 $0x2, s6;
	s10 =	smul.u32 $0x2800, s2  }
0xb: {  	s31 =	sshrl.u32 s6, $0x1;
	s7 =	sadd.s32 s8, s7;
	s8 =	sshrl.u32 s30, $0x2  }
0xc: {  	s15 =	ssub.s32 s6, s31;
	s9 =	sadd.s32 s10, s9;
	s7 =	sshrl.u32 s7, $0x3  }
0xd: {  	s11 =	sshrl.u32 s9, $0x3;
	s15 =	smax.u32 s15, $0x1;
	s14 =	sadd.s32 s7, s5  }
0xe: {  	s5 =	sadd.s32 s8, s1;
	s10 =	sadd.s32 s12, s11;
	s16 =	sadd.s32 $0x280, s11  }
0xf: {  	s11 =	sadd.s32 s13, s11;
	s6 =	sadd.s32 $0x4000, s5;
	s7 =	sadd.s32 $0x8000, s5  }
0x10: {  	s8 =	sadd.s32 $0xC000, s5;
	s9 =	sadd.s32 $0x10000, s5;
	s12 =	sadd.s32 s12, s16  }
0x11: {  	v0 =	vimm.f32 $0.0e+00;
	s13 =	sadd.s32 s13, s16;
	s14 =	sadd.s32 $0x3EA00, s14;
	s16 =	simm.s32 $0x2800  }
.LBB2_1:
0x12: {  	s26 =	sand.u32 $0xFE00, s3  }
0x13: {  	s28 =	sand.u32 $0x70, s3;
	s29 =	sshrl.u32 s26, $0x2  }
0x14: {  	s26 =	simm.s32 $0x40;
	s29 =	sor.u32 s28, s29;
	s28 =	simm.s32 $0x0  }
.LBB2_2:
0x15: {  	p0 =	sne.s32 s26, $0xFFC0  }
0x16: {  	[tilespmem:s29+$0x2800] =	vst v0;
	s28 =	sadd.s32 $0x10, s28;
	s29 =	smov.u32 s26;
	s26 =	sadd.s32 $0x40, s26  }
.Ltmp0:
0x17: {  	(pc) =	sbr.rel @p0 .LBB2_2-.Ltmp0, $4  }
0x18: {  	_ = 	snop  }
0x19: {  	s29 =	sand.u32 $0xFE00, s29  }
0x1a: {  	s30 =	sand.u32 $0x70, s28;
	s29 =	sshrl.u32 s29, $0x2  }
0x1b: {  	s29 =	sor.u32 s30, s29  }
0x1c: {  	[tilespmem:s29+$0x2800] =	vst v0  }
0x1d: {  	[spmem:s5] =	stream.linear.scatter [tilespmem:s16], [sflag:$0x1], $0x4000, $0x38;
	[tilespmem:$0x1E800] =	vst v63  }
0x1e: {  	_ = 	snop  }
0x1f: {  	[spmem:s6] =	stream.linear.scatter [tilespmem:s16], [sflag:$0x1], $0x4000, $0x38;
	[tilespmem:$0x1E800] =	vst v63  }
0x20: {  	_ = 	snop  }
0x21: {  	[spmem:s7] =	stream.linear.scatter [tilespmem:s16], [sflag:$0x1], $0x4000, $0x38;
	[tilespmem:$0x1E800] =	vst v63  }
0x22: {  	_ = 	snop  }
0x23: {  	[spmem:s8] =	stream.linear.scatter [tilespmem:s16], [sflag:$0x1], $0x4000, $0x38;
	[tilespmem:$0x1E800] =	vst v63  }
0x24: {  	_ = 	snop  }
0x25: {  	[spmem:s9] =	stream.linear.scatter [tilespmem:s16], [sflag:$0x1], $0x4000, $0x38;
	[tilespmem:$0x1E800] =	vst v63  }
0x26: {  	_ =	swait.ge [sflag:s17], $0x4000  }
0x27: {  	[sflag:s17] =	ssyncset.done $0x0  }
0x28: {  	[sflag:s17] =	ssyncadd.s32 $0xFFFFC000  }
0x29: {  	_ =	swait.ge [sflag:s17], $0x4000  }
0x2a: {  	[sflag:s17] =	ssyncset.done $0x0  }
0x2b: {  	[sflag:s17] =	ssyncadd.s32 $0xFFFFC000  }
0x2c: {  	_ =	swait.ge [sflag:s17], $0x4000  }
0x2d: {  	[sflag:s17] =	ssyncset.done $0x0  }
0x2e: {  	[sflag:s17] =	ssyncadd.s32 $0xFFFFC000  }
0x2f: {  	_ =	swait.ge [sflag:s17], $0x4000  }
0x30: {  	[sflag:s17] =	ssyncset.done $0x0  }
0x31: {  	[sflag:s17] =	ssyncadd.s32 $0xFFFFC000  }
0x32: {  	_ =	swait.ge [sflag:s17], $0x4000  }
0x33: {  	[sflag:s17] =	ssyncset.done $0x0  }
0x34: {  	[sflag:s17] =	ssyncadd.s32 $0xFFFFC000  }
0x35: {  	s26 =	simm.s32 $0x0;
	[bflag:$0x0] =	sbarrier.arrive $0xFFFF  }
0x36: {  	[tilespmem:s26], [sflag:$0x3] =	stream.linear.gather [hbm4b:s10+s26], $0x1400, $0x38;
	[tilespmem:$0x1E800] =	vst v63  }
0x37: {  	_ =	swait.ge [sflag:s18], $0x1400  }
0x38: {  	[sflag:s18] =	ssyncset.done $0x0  }
0x39: {  	[sflag:s18] =	ssyncadd.s32 $0xFFFFEC00  }
0x3a: {  	[tilespmem:s19], [sflag:$0x3] =	stream.linear.gather [hbm4b:s11+s26], $0x1400, $0x38;
	[tilespmem:$0x1E800] =	vst v63  }
0x3b: {  	_ =	swait.ge [sflag:s18], $0x1400  }
0x3c: {  	[sflag:s18] =	ssyncset.done $0x0  }
0x3d: {  	[sflag:s18] =	ssyncadd.s32 $0xFFFFEC00  }
0x3e: {  	[tilespmem:s16], [sflag:$0x1] =	stream.indirect.gather [hbm4b:s4+s20], $0x80, s26, s20, $0xb8;
	[tilespmem:$0x1E800] =	vst v63  }
0x3f: {  	_ = 	snop  }
0x40: {  	[tilespmem:s21], [sflag:$0x2] =	stream.indirect.gather [hbm4b:s4+s20], $0x80, s20, s20, $0xb8;
	[tilespmem:$0x1E800] =	vst v63  }
0x41: {  	_ =	swait.ge [sflag:s17], $0x4000  }
0x42: {  	[sflag:s17] =	ssyncset.done $0x0  }
0x43: {  	s29 =	simm.s32 $0x1400;
	[sflag:s17] =	ssyncadd.s32 $0xFFFFC000  }
0x44: {  	[spmem:s1] =	stream.indirect.scatter.add.f32 [tilespmem:s16], [sflag:$0x3], $0x80, s29, s20, $0xb8;
	[tilespmem:$0x1E800] =	vst v63  }
0x45: {  	_ =	swait.ge [sflag:s18], $0x4000  }
0x46: {  	[sflag:s18] =	ssyncset.done $0x0  }
0x47: {  	s30 =	simm.s32 $0x100;
	[sflag:s18] =	ssyncadd.s32 $0xFFFFC000  }
0x48: {  	[tilespmem:s16], [sflag:$0x1] =	stream.indirect.gather [hbm4b:s4+s20], $0x80, s30, s20, $0xb8;
	[tilespmem:$0x1E800] =	vst v63  }
0x49: {  	_ =	swait.ge [sflag:s22], $0x4000  }
0x4a: {  	[sflag:s22] =	ssyncset.done $0x0  }
0x4b: {  	s31 =	simm.s32 $0x1480;
	[sflag:s22] =	ssyncadd.s32 $0xFFFFC000  }
0x4c: {  	[spmem:s1] =	stream.indirect.scatter.add.f32 [tilespmem:s21], [sflag:$0x3], $0x80, s31, s20, $0xb8;
	[tilespmem:$0x1E800] =	vst v63  }
0x4d: {  	_ =	swait.ge [sflag:s18], $0x4000  }
0x4e: {  	[sflag:s18] =	ssyncset.done $0x0  }
0x4f: {  	s28 =	simm.s32 $0x180;
	s26 =	simm.s32 $0x400;
	[sflag:s18] =	ssyncadd.s32 $0xFFFFC000  }
.LBB2_4:
0x50: {  	[tilespmem:s21], [sflag:$0x2] =	stream.indirect.gather [hbm4b:s4+s20], $0x80, s28, s20, $0xb8;
	[tilespmem:$0x1E800] =	vst v63  }
0x51: {  	s28 =	smov.u32 s26  }
0x52: {  	p0 =	sne.s32 s26, $0x4800;
	s26 =	sadd.s32 $0x400, s26;
	_ =	swait.ge [sflag:s17], $0x4000  }
0x53: {  	s28 =	sshra.s32 s28, $0x2;
	[sflag:s17] =	ssyncset.done $0x0  }
0x54: {  	s29 =	sadd.s32 $0x1400, s28;
	[sflag:s17] =	ssyncadd.s32 $0xFFFFC000  }
0x55: {  	[spmem:s1] =	stream.indirect.scatter.add.f32 [tilespmem:s16], [sflag:$0x3], $0x80, s29, s20, $0xb8;
	[tilespmem:$0x1E800] =	vst v63  }
0x56: {  	_ =	swait.ge [sflag:s18], $0x4000  }
0x57: {  	[sflag:s18] =	ssyncset.done $0x0  }
0x58: {  	s29 =	sadd.s32 $0x100, s28;
	[sflag:s18] =	ssyncadd.s32 $0xFFFFC000  }
0x59: {  	[tilespmem:s16], [sflag:$0x1] =	stream.indirect.gather [hbm4b:s4+s20], $0x80, s29, s20, $0xb8;
	[tilespmem:$0x1E800] =	vst v63  }
0x5a: {  	_ =	swait.ge [sflag:s22], $0x4000  }
0x5b: {  	[sflag:s22] =	ssyncset.done $0x0  }
.Ltmp1:
0x5c: {  	s29 =	sadd.s32 $0x1480, s28;
	[sflag:s22] =	ssyncadd.s32 $0xFFFFC000;
	(pc) =	sbr.rel @p0 .LBB2_4-.Ltmp1, $4  }
0x5d: {  	[spmem:s1] =	stream.indirect.scatter.add.f32 [tilespmem:s21], [sflag:$0x3], $0x80, s29, s20, $0xb8;
	[tilespmem:$0x1E800] =	vst v63  }
0x5e: {  	_ =	swait.ge [sflag:s18], $0x4000  }
0x5f: {  	[sflag:s18] =	ssyncset.done $0x0  }
0x60: {  	s28 =	sadd.s32 $0x180, s28;
	[sflag:s18] =	ssyncadd.s32 $0xFFFFC000  }
0x61: {  	[tilespmem:s21], [sflag:$0x2] =	stream.indirect.gather [hbm4b:s4+s20], $0x80, s28, s20, $0xb8;
	[tilespmem:$0x1E800] =	vst v63  }
0x62: {  	_ =	swait.ge [sflag:s17], $0x4000  }
0x63: {  	[sflag:s17] =	ssyncset.done $0x0  }
0x64: {  	[sflag:s17] =	ssyncadd.s32 $0xFFFFC000  }
0x65: {  	[spmem:s1] =	stream.indirect.scatter.add.f32 [tilespmem:s16], [sflag:$0x3], $0x80, s23, s20, $0xb8;
	[tilespmem:$0x1E800] =	vst v63  }
0x66: {  	_ =	swait.ge [sflag:s18], $0x4000  }
0x67: {  	[sflag:s18] =	ssyncset.done $0x0  }
0x68: {  	[sflag:s18] =	ssyncadd.s32 $0xFFFFC000  }
0x69: {  	_ =	swait.ge [sflag:s22], $0x4000  }
0x6a: {  	[sflag:s22] =	ssyncset.done $0x0  }
0x6b: {  	[sflag:s22] =	ssyncadd.s32 $0xFFFFC000  }
0x6c: {  	[spmem:s1] =	stream.indirect.scatter.add.f32 [tilespmem:s21], [sflag:$0x3], $0x80, s24, s20, $0xb8;
	[tilespmem:$0x1E800] =	vst v63  }
0x6d: {  	_ =	swait.ge [sflag:s18], $0x4000  }
0x6e: {  	[sflag:s18] =	ssyncset.done $0x0  }
0x6f: {  	s26 =	simm.s32 $0x0;
	[sflag:s18] =	ssyncadd.s32 $0xFFFFC000  }
0x70: {  	[tilespmem:s26], [sflag:$0x3] =	stream.linear.gather [hbm4b:s12+s26], $0x1400, $0x38;
	[tilespmem:$0x1E800] =	vst v63  }
0x71: {  	_ =	swait.ge [sflag:s18], $0x1400  }
0x72: {  	[sflag:s18] =	ssyncset.done $0x0  }
0x73: {  	[sflag:s18] =	ssyncadd.s32 $0xFFFFEC00  }
0x74: {  	[tilespmem:s19], [sflag:$0x3] =	stream.linear.gather [hbm4b:s13+s26], $0x1400, $0x38;
	[tilespmem:$0x1E800] =	vst v63  }
0x75: {  	_ =	swait.ge [sflag:s18], $0x1400  }
0x76: {  	[sflag:s18] =	ssyncset.done $0x0  }
0x77: {  	[sflag:s18] =	ssyncadd.s32 $0xFFFFEC00  }
0x78: {  	[tilespmem:s16], [sflag:$0x1] =	stream.indirect.gather [hbm4b:s4+s20], $0x80, s26, s20, $0xb8;
	[tilespmem:$0x1E800] =	vst v63  }
0x79: {  	_ = 	snop  }
0x7a: {  	[tilespmem:s21], [sflag:$0x2] =	stream.indirect.gather [hbm4b:s4+s20], $0x80, s20, s20, $0xb8;
	[tilespmem:$0x1E800] =	vst v63  }
0x7b: {  	_ =	swait.ge [sflag:s17], $0x4000  }
0x7c: {  	[sflag:s17] =	ssyncset.done $0x0  }
0x7d: {  	s29 =	simm.s32 $0x1400;
	[sflag:s17] =	ssyncadd.s32 $0xFFFFC000  }
0x7e: {  	[spmem:s1] =	stream.indirect.scatter.add.f32 [tilespmem:s16], [sflag:$0x3], $0x80, s29, s20, $0xb8;
	[tilespmem:$0x1E800] =	vst v63  }
0x7f: {  	_ =	swait.ge [sflag:s18], $0x4000  }
0x80: {  	[sflag:s18] =	ssyncset.done $0x0  }
0x81: {  	s30 =	simm.s32 $0x100;
	[sflag:s18] =	ssyncadd.s32 $0xFFFFC000  }
0x82: {  	[tilespmem:s16], [sflag:$0x1] =	stream.indirect.gather [hbm4b:s4+s20], $0x80, s30, s20, $0xb8;
	[tilespmem:$0x1E800] =	vst v63  }
0x83: {  	_ =	swait.ge [sflag:s22], $0x4000  }
0x84: {  	[sflag:s22] =	ssyncset.done $0x0  }
0x85: {  	s31 =	simm.s32 $0x1480;
	[sflag:s22] =	ssyncadd.s32 $0xFFFFC000  }
0x86: {  	[spmem:s1] =	stream.indirect.scatter.add.f32 [tilespmem:s21], [sflag:$0x3], $0x80, s31, s20, $0xb8;
	[tilespmem:$0x1E800] =	vst v63  }
0x87: {  	_ =	swait.ge [sflag:s18], $0x4000  }
0x88: {  	[sflag:s18] =	ssyncset.done $0x0  }
0x89: {  	s28 =	simm.s32 $0x180;
	s26 =	simm.s32 $0x400;
	[sflag:s18] =	ssyncadd.s32 $0xFFFFC000  }
.LBB2_6:
0x8a: {  	[tilespmem:s21], [sflag:$0x2] =	stream.indirect.gather [hbm4b:s4+s20], $0x80, s28, s20, $0xb8;
	[tilespmem:$0x1E800] =	vst v63  }
0x8b: {  	s28 =	smov.u32 s26  }
0x8c: {  	p0 =	sne.s32 s26, $0x4800;
	s26 =	sadd.s32 $0x400, s26;
	_ =	swait.ge [sflag:s17], $0x4000  }
0x8d: {  	s28 =	sshra.s32 s28, $0x2;
	[sflag:s17] =	ssyncset.done $0x0  }
0x8e: {  	s29 =	sadd.s32 $0x1400, s28;
	[sflag:s17] =	ssyncadd.s32 $0xFFFFC000  }
0x8f: {  	[spmem:s1] =	stream.indirect.scatter.add.f32 [tilespmem:s16], [sflag:$0x3], $0x80, s29, s20, $0xb8;
	[tilespmem:$0x1E800] =	vst v63  }
0x90: {  	_ =	swait.ge [sflag:s18], $0x4000  }
0x91: {  	[sflag:s18] =	ssyncset.done $0x0  }
0x92: {  	s29 =	sadd.s32 $0x100, s28;
	[sflag:s18] =	ssyncadd.s32 $0xFFFFC000  }
0x93: {  	[tilespmem:s16], [sflag:$0x1] =	stream.indirect.gather [hbm4b:s4+s20], $0x80, s29, s20, $0xb8;
	[tilespmem:$0x1E800] =	vst v63  }
0x94: {  	_ =	swait.ge [sflag:s22], $0x4000  }
0x95: {  	[sflag:s22] =	ssyncset.done $0x0  }
.Ltmp2:
0x96: {  	s29 =	sadd.s32 $0x1480, s28;
	[sflag:s22] =	ssyncadd.s32 $0xFFFFC000;
	(pc) =	sbr.rel @p0 .LBB2_6-.Ltmp2, $4  }
0x97: {  	[spmem:s1] =	stream.indirect.scatter.add.f32 [tilespmem:s21], [sflag:$0x3], $0x80, s29, s20, $0xb8;
	[tilespmem:$0x1E800] =	vst v63  }
0x98: {  	_ =	swait.ge [sflag:s18], $0x4000  }
0x99: {  	[sflag:s18] =	ssyncset.done $0x0  }
0x9a: {  	s28 =	sadd.s32 $0x180, s28;
	[sflag:s18] =	ssyncadd.s32 $0xFFFFC000  }
0x9b: {  	[tilespmem:s21], [sflag:$0x2] =	stream.indirect.gather [hbm4b:s4+s20], $0x80, s28, s20, $0xb8;
	[tilespmem:$0x1E800] =	vst v63  }
0x9c: {  	_ =	swait.ge [sflag:s17], $0x4000  }
0x9d: {  	[sflag:s17] =	ssyncset.done $0x0  }
0x9e: {  	[sflag:s17] =	ssyncadd.s32 $0xFFFFC000  }
0x9f: {  	[spmem:s1] =	stream.indirect.scatter.add.f32 [tilespmem:s16], [sflag:$0x3], $0x80, s23, s20, $0xb8;
	[tilespmem:$0x1E800] =	vst v63  }
0xa0: {  	_ =	swait.ge [sflag:s18], $0x4000  }
0xa1: {  	[sflag:s18] =	ssyncset.done $0x0  }
0xa2: {  	[sflag:s18] =	ssyncadd.s32 $0xFFFFC000  }
0xa3: {  	_ =	swait.ge [sflag:s22], $0x4000  }
0xa4: {  	[sflag:s22] =	ssyncset.done $0x0  }
0xa5: {  	[sflag:s22] =	ssyncadd.s32 $0xFFFFC000  }
0xa6: {  	[spmem:s1] =	stream.indirect.scatter.add.f32 [tilespmem:s21], [sflag:$0x3], $0x80, s24, s20, $0xb8;
	[tilespmem:$0x1E800] =	vst v63  }
0xa7: {  	_ =	swait.ge [sflag:s18], $0x4000  }
0xa8: {  	s26 =	sshll.u32 s2, $0x6;
	s25 =	sadd.s32 $0x1, s25;
	[sflag:s18] =	ssyncset.done $0x0  }
0xa9: {  	s31 =	sshrl.u32 s5, $0x3;
	p0 =	sne.s32 s25, s15;
	[sflag:s18] =	ssyncadd.s32 $0xFFFFC000  }
.Ltmp3:
0xaa: {  	s26 =	sor.u32 $0x1C03, s26;
	[bflag:$0x0] =	sbarrier.arrive $0xFFFF;
	(pc) =	sbr.rel @p0 .LBB2_1-.Ltmp3, $4  }
0xab: {  	[hbm:s14], [sflag:s26] =	dma.local [spmem:s31], $0x2800  }
0xac: {  	_ =	swait.ge [sflag:s18], $0x2800  }
0xad: {  	[sflag:s18] =	ssyncset.done $0x0  }
0xae: {  	[sflag:s18] =	ssyncadd.s32 $0xFFFFD800  }
0xaf: {  	_ =	sfence.sel $0x180000  }
0xb0: {  	[bflag:$0x0] =	sbarrier.arrive $0xFFFF  }
0xb1: {  	p0 =	sne.s32 s2, $0x0;
	_ =	strace $0x9000004A  }
0xb2: {  	s0 =	sadd.s32 @!p0 $0x100000, s0;
	[bflag:$0x2] =	sbarrier.arrive $0xFFFF  }
0xb3: {  	[sflag:s0] =	ssyncadd.tile.s32 @!p0 $0x1;
	_ =	shalt  }
.Lfunc_end2:
_tile_overlayer_lowered:
.L_overlay_start_2:
0xb4: {  	(tag) =	ssettag $0x2  }
0xb5: {  	s0 =	rddreg [dreg:$0x0];
	s2 =	stileid.u32  }
0xb6: {  	s1 =	rddreg [dreg:$0x1];
	p0 =	sne.s32 s2, $0x0  }
0xb7: {  	s3 =	rddreg [dreg:$0x2];
	[bflag:$0x3] =	sbarrier.arrive $0xFFFF;
	s2 =	simm.s32 @!p0 $0x1C03  }
0xb8: {  	[timem:s3], [sflag:s2] =	dma.local @!p0 [hbm:s0], s1  }
0xb9: {  	s0 =	simm.s32 @!p0 $0x3  }
0xba: {  	_ =	swait.ge @!p0 [sflag:s0], s1  }
0xbb: {  	s1 =	ssub.s32 @!p0 $0x0, s1;
	[sflag:s0] =	ssyncset.done @!p0 $0x0  }
0xbc: {  	[sflag:s0] =	ssyncadd.s32 @!p0 s1  }
0xbd: {  	[bflag:$0x3] =	sbarrier.arrive $0xFFFF  }
0xbe: {  	_ =	shalt  }

// kernel: kernel.15.cloned.1.call-start
scs
__scs_entry_jumppad:
0x0: {  	(pc) =	sbr.rel $0x88, $3  }
0x1: {  	(tag) =	ssettag $0x0;
	lr =	simm.s32 $0x1  }
0x2: {  	[smem:$0x3F99] =	sst lr;
	_ =	strace $0xD0000000  }
0x3: {  	_ = 	snop  }
0x4: {  	_ = 	snop  }
0x5: {  	_ = 	snop  }
0x6: {  	_ = 	snop  }
0x7: {  	_ = 	snop  }
__scs_overlays_trampoline_lowered:
0x8: {  	[smem:$0x3FA8] =	sst s0  }
0x9: {  	[smem:$0x3FA9] =	sst s1  }
0xa: {  	[smem:$0x3FAA] =	sst s2  }
0xb: {  	[smem:$0x3FAB] =	sst s3  }
0xc: {  	[smem:$0x3FAC] =	sst s4  }
0xd: {  	[smem:$0x3FAD] =	sst s5  }
0xe: {  	[smem:$0x3FAE] =	sst s6  }
0xf: {  	[smem:$0x3FAF] =	sst s7  }
0x10: {  	[smem:$0x3FB0] =	sst s8  }
0x11: {  	[smem:$0x3FB1] =	sst s9;
	s0 =	simm.s32 @!p0 $0x0  }
0x12: {  	s1 =	sld [smem:$0x3F97];
	s0 =	simm.s32 @p0 $0x1  }
0x13: {  	[smem:$0x3FB2] =	sst s0;
	s0 =	simm.s32 @!p1 $0x0  }
0x14: {  	s2 =	sld [smem:$0x3F96];
	s0 =	simm.s32 @p1 $0x1  }
0x15: {  	[smem:$0x3FB3] =	sst s0;
	s0 =	simm.s32 @!p2 $0x0  }
0x16: {  	s3 =	sld [smem:$0x3FDB];
	s0 =	simm.s32 @p2 $0x1  }
0x17: {  	s4 =	simm.s32 $0x1BF5;
	[smem:$0x3FB5] =	sst s0  }
0x18: {  	s0 =	sld [smem:$0x3F98];
	_ =	swait.ge [sflag:s4], $0x0  }
0x19: {  	s7 =	sld [smem:$0x3F99]  }
0x1a: {  	s8 =	sadd.s32 $0xFFFFE003, lr  }
0x1b: {  	s9 =	sadd.s32 $0xFFFFFEF7, lr;
	s5 =	simm.s32 $0xFFFFFFFF;
	p2 =	slt.u32 s8, $0xFFFFF086  }
0x1c: {  	p1 =	slt.u32 s9, $0xF7A;
	s5 =	simm.s32 @!p2 $0x0  }
0x1d: {  	s5 =	simm.s32 @p1 $0x1;
	p0 =	seq.s32 s7, s2  }
0x1e: {  	s7 =	smul.u32 @!p0 $0xF7A, s2;
	p2 =	seq.s32 @!p0 s5, $0x0  }
0x1f: {  	s9 =	smul.u32 $0xF7A, s1;
	s8 =	simm.s32 @!p0 $0x1BF5;
	p2 =	por !p2, p0  }
0x20: {  	[sflag:s8] =	ssyncset.s32 @!p0 $0xFFFFF086;
	s6 =	sadd.s32 @!p0 s3, s7;
	s7 =	simm.s32 @!p0 $0x108  }
0x21: {  	s3 =	sadd.s32 s3, s9;
	s6 =	sadd.s32 @!p0 $0x88, s6;
	s7 =	simm.s32 @p2 $0x1082  }
0x22: {  	[simem:s7], [sflag:s8] =	dma.local @!p0 [hbm:s6], $0xF7A  }
0x23: {  	s9 =	sor.u32 $0xD0000000, s2;
	s6 =	simm.s32 $0x108;
	_ =	swait.ge @!p0 [sflag:s8], $0x0  }
0x24: {  	s3 =	sadd.s32 $0x88, s3;
	s6 =	simm.s32 @!p1 $0x1082;
	[sflag:s4] =	ssyncset.s32 $0xFFFFF086  }
0x25: {  	[simem:s6], [sflag:s4] =	dma.local [hbm:s3], $0xF7A  }
0x26: {  	[smem:$0x3F99] =	sst s1;
	(tag) =	ssettag s2;
	_ =	strace s9  }
0x27: {  	s1 =	sld [smem:$0x3FA9]  }
0x28: {  	s2 =	sld [smem:$0x3FAA]  }
0x29: {  	s4 =	sld [smem:$0x3FAC]  }
0x2a: {  	p0 =	seq.s32 s5, $0x0;
	s5 =	sld [smem:$0x3FAD]  }
0x2b: {  	s6 =	sld [smem:$0x3FAE]  }
0x2c: {  	s7 =	sld [smem:$0x3FAF]  }
0x2d: {  	s3 =	simm.s32 $0x108;
	s8 =	sld [smem:$0x3FB0]  }
0x2e: {  	s3 =	simm.s32 @!p0 $0x1082;
	s9 =	sld [smem:$0x3FB1]  }
0x2f: {  	lr =	sadd.s32 s0, s3;
	s0 =	sld [smem:$0x3FA8]  }
0x30: {  	s3 =	sld [smem:$0x3FAB]  }
0x31: {  	[smem:$0x3FB4] =	sst s10  }
0x32: {  	s10 =	sld [smem:$0x3FB2];
	_ =	sdelay $0x3  }
0x33: {  	p0 =	seq.s32 s10, $0x1;
	s10 =	sld [smem:$0x3FB4];
	_ =	sdelay $0x3  }
0x34: {  	[smem:$0x3FB4] =	sst s10  }
0x35: {  	s10 =	sld [smem:$0x3FB3];
	_ =	sdelay $0x3  }
0x36: {  	p1 =	seq.s32 s10, $0x1;
	s10 =	sld [smem:$0x3FB4];
	_ =	sdelay $0x3  }
0x37: {  	[smem:$0x3FB4] =	sst s10  }
0x38: {  	s10 =	sld [smem:$0x3FB5]  }
0x39: {  	_ = 	snop;
	(pc) =	sbr.ind lr, $3  }
0x3a: {  	_ = 	snop  }
0x3b: {  	_ = 	snop  }
0x3c: {  	p2 =	seq.s32 s10, $0x1;
	s10 =	sld [smem:$0x3FB4]  }
0x3d: {  	_ =	shalt  }
0x3e: {  	_ =	shalt  }
0x3f: {  	_ =	shalt  }
0x40: {  	_ =	shalt  }
0x41: {  	_ =	shalt  }
0x42: {  	_ =	shalt  }
0x43: {  	_ =	shalt  }
0x44: {  	_ =	shalt  }
0x45: {  	_ =	shalt  }
0x46: {  	_ =	shalt  }
0x47: {  	_ =	shalt  }
0x48: {  	_ =	shalt  }
0x49: {  	_ =	shalt  }
0x4a: {  	_ =	shalt  }
0x4b: {  	_ =	shalt  }
0x4c: {  	_ =	shalt  }
0x4d: {  	_ =	shalt  }
0x4e: {  	_ =	shalt  }
0x4f: {  	_ =	shalt  }
0x50: {  	_ =	shalt  }
0x51: {  	_ =	shalt  }
0x52: {  	_ =	shalt  }
0x53: {  	_ =	shalt  }
0x54: {  	_ =	shalt  }
0x55: {  	_ =	shalt  }
0x56: {  	_ =	shalt  }
0x57: {  	_ =	shalt  }
0x58: {  	_ =	shalt  }
0x59: {  	_ =	shalt  }
0x5a: {  	_ =	shalt  }
0x5b: {  	_ =	shalt  }
0x5c: {  	_ =	shalt  }
0x5d: {  	_ =	shalt  }
0x5e: {  	_ =	shalt  }
0x5f: {  	_ =	shalt  }
0x60: {  	_ =	shalt  }
0x61: {  	_ =	shalt  }
0x62: {  	_ =	shalt  }
0x63: {  	_ =	shalt  }
0x64: {  	_ =	shalt  }
0x65: {  	_ =	shalt  }
0x66: {  	_ =	shalt  }
0x67: {  	_ =	shalt  }
0x68: {  	_ =	shalt  }
0x69: {  	_ =	shalt  }
0x6a: {  	_ =	shalt  }
0x6b: {  	_ =	shalt  }
0x6c: {  	_ =	shalt  }
0x6d: {  	_ =	shalt  }
0x6e: {  	_ =	shalt  }
0x6f: {  	_ =	shalt  }
0x70: {  	_ =	shalt  }
0x71: {  	_ =	shalt  }
0x72: {  	_ =	shalt  }
0x73: {  	_ =	shalt  }
0x74: {  	_ =	shalt  }
0x75: {  	_ =	shalt  }
0x76: {  	_ =	shalt  }
0x77: {  	_ =	shalt  }
0x78: {  	_ =	shalt  }
0x79: {  	_ =	shalt  }
0x7a: {  	_ =	shalt  }
0x7b: {  	_ =	shalt  }
0x7c: {  	_ =	shalt  }
0x7d: {  	_ =	shalt  }
0x7e: {  	_ =	shalt  }
0x7f: {  	_ =	shalt  }
0x80: {  	_ =	shalt  }
0x81: {  	_ =	shalt  }
0x82: {  	_ =	shalt  }
0x83: {  	_ =	shalt  }
0x84: {  	_ =	shalt  }
0x85: {  	_ =	shalt  }
0x86: {  	_ =	shalt  }
0x87: {  	_ =	shalt  }
.Lfunc_end0:
.L_simem_size_0:
called_computation.2_lowered:
.L_overlay_start_0:
0x88: {  	s2 =	sld [smem:$0x3FD9]  }
0x89: {  	s3 =	sld [smem:$0x3FFE];
	_ =	sdelay $0x1  }
0x8a: {  	s1 =	srdreg.scid  }
0x8b: {  	s0 =	sand.u32 $0x1, s1  }
0x8c: {  	s16 =	sshll.u32 s0, $0xA;
	s2 =	sadd.s32 s3, s2  }
0x8d: {  	s2 =	sadd.s32 s2, s16  }
0x8e: {  	[smem:$0x3FC0] =	sst s2  }
0x8f: {  	_ = 	snop  }
0x90: {  	(tm) =	ssettm $0x1  }
0x91: {  	s17 =	sld [smem:$0x3FFB];
	_ =	sdelay $0x3  }
0x92: {  	_ =	strace s17  }
0x93: {  	s2 =	sld [smem:$0x3FFC];
	_ =	sdelay $0x3  }
0x94: {  	_ =	strace s2  }
0x95: {  	s2 =	sld [smem:$0x3FFD];
	_ =	sdelay $0x3  }
0x96: {  	_ =	strace s2  }
0x97: {  	_ =	strace $0x8FFFFFFF  }
0x98: {  	s18 =	sld [smem:$0x3FDB];
	_ =	sdelay $0x1  }
0x99: {  	s19 =	simm.s32 $_scs_section_size  }
0x9a: {  	s4 =	simm.s32 $_size__tile_overlayer_lowered;
	s5 =	simm.s32 $_tile_overlayer_lowered  }
0x9b: {  	s22 =	simm.s32 $0x1BFF;
	s21 =	sshll.u32 s5, $0x1;
	s2 =	sadd.s32 s19, s18  }
0x9c: {  	s6 =	simm.s32 $0x0;
	s20 =	sshll.u32 s4, $0x1;
	s4 =	sadd.s32 s21, s2  }
0x9d: {  	[timem:s6], [sflag:s22] =	dma.local [hbm:s4], s20  }
0x9e: {  	_ =	swait.ge [sflag:s22], s20  }
0x9f: {  	s3 =	ssub.s32 $0x0, s20;
	[sflag:s22] =	ssyncset.done $0x0  }
0xa0: {  	[sflag:s22] =	ssyncadd.s32 s3;
	_ =	sdelay $0x1  }
0xa1: {  	s23 =	simm.s32 $0x1B8B  }
0xa2: {  	_ =	swait.ge [sflag:s23], $0x1  }
0xa3: {  	[sflag:s23] =	ssyncset.done $0x0  }
0xa4: {  	s25 =	simm.s32 $0x1B8E;
	s24 =	sld [smem:$0x3FFE];
	[sflag:s23] =	ssyncadd.s32 $0xFFFFFFFF  }
0xa5: {  	s26 =	simm.s32 $execute0_lowered;
	[smem:$0x3FD2] =	sst s25  }
0xa6: {  	s4 =	sshll.u32 s26, $0x1;
	_ =	strace $0x8000004C;
	[dreg:$0x1] =	wrdreg $0xFFFFFFFF  }
0xa7: {  	s28 =	simm.s32 $_size_execute0_lowered;
	s2 =	sadd.s32 s2, s4;
	[dreg:$0x0] =	wrdreg $0x0  }
0xa8: {  	s4 =	sshll.u32 s28, $0x1;
	[dreg:$0x2] =	wrdreg s2  }
0xa9: {  	[dreg:$0x3] =	wrdreg s4  }
0xaa: {  	[dreg:$0x4] =	wrdreg $0xC0  }
0xab: {  	_ =	task [dreg:s6], $0x5FFFF  }
0xac: {  	[dreg:$0x1] =	wrdreg $0xFFFFFFFF  }
0xad: {  	[dreg:$0x0] =	wrdreg $0x60  }
0xae: {  	[dreg:$0x2] =	wrdreg s24  }
0xaf: {  	[dreg:$0x3] =	wrdreg $0xA8000  }
0xb0: {  	[dreg:$0x4] =	wrdreg $0x9  }
0xb1: {  	_ =	task.clear_ibuf [dreg:s6], $0x5FFFF;
	_ =	strace $0x9000004C  }
0xb2: {  	s29 =	simm.s32 $0x9;
	_ =	strace $0x8000004E  }
0xb3: {  	_ =	swait.ge [sflag:s29], $0x1  }
0xb4: {  	[sflag:s29] =	ssyncadd.s32 $0xFFFFFFFF  }
0xb5: {  	_ =	strace $0x9000004E  }
0xb6: {  	_ =	sfence  }
0xb7: {  	s30 =	sld [smem:$0x0];
	_ =	sdelay $0x2  }
0xb8: {  	s31 =	sshll.u32 s1, $0xD;
	s1 =	sshrl.u32 s1, $0x2  }
0xb9: {  	s3 =	sand.u32 $0x4000, s31;
	s1 =	sadd.s32 s1, s30  }
0xba: {  	s0 =	sor.u32 s3, s0;
	s1 =	sshll.u32 s1, $0x11  }
0xbb: {  	s0 =	sor.u32 s1, s0  }
0xbc: {  	s0 =	sadd.s32 $0x8F2B, s0  }
0xbd: {  	[sflag:s0] =	ssyncadd.remote.s32 $0x1  }
0xbe: {  	_ =	sfence.sel $0xFFFF  }
0xbf: {  	[dreg:$0x0] =	wrdreg $0xFFFFFFFF;
	(pc) =	sbr.abs _section_cstart, $3  }
0xc0: {  	[dreg:$0x1] =	wrdreg $0xFFFFFFFF  }
0xc1: {  	_ =	task.clear_ibuf [dreg:s6], $0x2FFFF;
	_ =	strace $0x9FFFFFFF  }
0xc2: {  	(tm) =	ssettm $0x7FFFFFFF  }
0xc3: {  	_ =	shalt  }
tec
execute0_lowered:
.L_overlay_start_1:
0x0: {  	(tag) =	ssettag $0x1  }
0x1: {  	s5 =	rddreg [dreg:$0x0]  }
0x2: {  	s1 =	rddreg [dreg:$0x1];
	s2 =	srdreg.scid  }
0x3: {  	s0 =	rddreg [dreg:$0x2];
	s3 =	simm.s32 $0x0;
	s17 =	simm.s32 $0x1  }
0x4: {  	s18 =	simm.s32 $0x3;
	s19 =	simm.s32 $0x1400;
	s20 =	simm.s32 $0x80  }
0x5: {  	s21 =	simm.s32 $0x6800;
	s22 =	simm.s32 $0x2;
	s6 =	sand.u32 $0x1, s2  }
0x6: {  	s23 =	simm.s32 $0x2700;
	s2 =	stileid.u32;
	s7 =	smul.u32 $0x140000, s6  }
0x7: {  	s24 =	simm.s32 $0x2780;
	s25 =	simm.s32 $0x0;
	s8 =	smul.u32 $0x14000, s2  }
0x8: {  	[smem:$0x7FF] =	sst s3;
	s4 =	sadd.s32 $0x17800, s5;
	s30 =	smul.u32 $0x50000, s2  }
0x9: {  	s12 =	sadd.s32 $0xD800, s5;
	s13 =	sadd.s32 $0x3800, s5;
	s9 =	smul.u32 $0x28000, s6  }
0xa: {  	_ =	strace $0x8000004D;
	s6 =	ssub.s32 $0x2, s6;
	s10 =	smul.u32 $0x2800, s2  }
0xb: {  	s31 =	sshrl.u32 s6, $0x1;
	s7 =	sadd.s32 s8, s7;
	s8 =	sshrl.u32 s30, $0x2  }
0xc: {  	s15 =	ssub.s32 s6, s31;
	s9 =	sadd.s32 s10, s9;
	s7 =	sshrl.u32 s7, $0x3  }
0xd: {  	s11 =	sshrl.u32 s9, $0x3;
	s15 =	smax.u32 s15, $0x1;
	s14 =	sadd.s32 s7, s5  }
0xe: {  	s5 =	sadd.s32 s8, s1;
	s10 =	sadd.s32 s12, s11;
	s16 =	sadd.s32 $0x280, s11  }
0xf: {  	s11 =	sadd.s32 s13, s11;
	s6 =	sadd.s32 $0x4000, s5;
	s7 =	sadd.s32 $0x8000, s5  }
0x10: {  	s8 =	sadd.s32 $0xC000, s5;
	s9 =	sadd.s32 $0x10000, s5;
	s12 =	sadd.s32 s12, s16  }
0x11: {  	v0 =	vimm.f32 $0.0e+00;
	s13 =	sadd.s32 s13, s16;
	s14 =	sadd.s32 $0x3EA00, s14;
	s16 =	simm.s32 $0x2800  }
.LBB2_1:
0x12: {  	s26 =	sand.u32 $0xFE00, s3  }
0x13: {  	s28 =	sand.u32 $0x70, s3;
	s29 =	sshrl.u32 s26, $0x2  }
0x14: {  	s26 =	simm.s32 $0x40;
	s29 =	sor.u32 s28, s29;
	s28 =	simm.s32 $0x0  }
.LBB2_2:
0x15: {  	p0 =	sne.s32 s26, $0xFFC0  }
0x16: {  	[tilespmem:s29+$0x2800] =	vst v0;
	s28 =	sadd.s32 $0x10, s28;
	s29 =	smov.u32 s26;
	s26 =	sadd.s32 $0x40, s26  }
.Ltmp0:
0x17: {  	(pc) =	sbr.rel @p0 .LBB2_2-.Ltmp0, $4  }
0x18: {  	_ = 	snop  }
0x19: {  	s29 =	sand.u32 $0xFE00, s29  }
0x1a: {  	s30 =	sand.u32 $0x70, s28;
	s29 =	sshrl.u32 s29, $0x2  }
0x1b: {  	s29 =	sor.u32 s30, s29  }
0x1c: {  	[tilespmem:s29+$0x2800] =	vst v0  }
0x1d: {  	[spmem:s5] =	stream.linear.scatter [tilespmem:s16], [sflag:$0x1], $0x4000, $0x38;
	[tilespmem:$0x1E800] =	vst v63  }
0x1e: {  	_ = 	snop  }
0x1f: {  	[spmem:s6] =	stream.linear.scatter [tilespmem:s16], [sflag:$0x1], $0x4000, $0x38;
	[tilespmem:$0x1E800] =	vst v63  }
0x20: {  	_ = 	snop  }
0x21: {  	[spmem:s7] =	stream.linear.scatter [tilespmem:s16], [sflag:$0x1], $0x4000, $0x38;
	[tilespmem:$0x1E800] =	vst v63  }
0x22: {  	_ = 	snop  }
0x23: {  	[spmem:s8] =	stream.linear.scatter [tilespmem:s16], [sflag:$0x1], $0x4000, $0x38;
	[tilespmem:$0x1E800] =	vst v63  }
0x24: {  	_ = 	snop  }
0x25: {  	[spmem:s9] =	stream.linear.scatter [tilespmem:s16], [sflag:$0x1], $0x4000, $0x38;
	[tilespmem:$0x1E800] =	vst v63  }
0x26: {  	_ =	swait.ge [sflag:s17], $0x4000  }
0x27: {  	[sflag:s17] =	ssyncset.done $0x0  }
0x28: {  	[sflag:s17] =	ssyncadd.s32 $0xFFFFC000  }
0x29: {  	_ =	swait.ge [sflag:s17], $0x4000  }
0x2a: {  	[sflag:s17] =	ssyncset.done $0x0  }
0x2b: {  	[sflag:s17] =	ssyncadd.s32 $0xFFFFC000  }
0x2c: {  	_ =	swait.ge [sflag:s17], $0x4000  }
0x2d: {  	[sflag:s17] =	ssyncset.done $0x0  }
0x2e: {  	[sflag:s17] =	ssyncadd.s32 $0xFFFFC000  }
0x2f: {  	_ =	swait.ge [sflag:s17], $0x4000  }
0x30: {  	[sflag:s17] =	ssyncset.done $0x0  }
0x31: {  	[sflag:s17] =	ssyncadd.s32 $0xFFFFC000  }
0x32: {  	_ =	swait.ge [sflag:s17], $0x4000  }
0x33: {  	[sflag:s17] =	ssyncset.done $0x0  }
0x34: {  	[sflag:s17] =	ssyncadd.s32 $0xFFFFC000  }
0x35: {  	s26 =	simm.s32 $0x0;
	[bflag:$0x0] =	sbarrier.arrive $0xFFFF  }
0x36: {  	[tilespmem:s26], [sflag:$0x3] =	stream.linear.gather [hbm4b:s10+s26], $0x1400, $0x38;
	[tilespmem:$0x1E800] =	vst v63  }
0x37: {  	_ =	swait.ge [sflag:s18], $0x1400  }
0x38: {  	[sflag:s18] =	ssyncset.done $0x0  }
0x39: {  	[sflag:s18] =	ssyncadd.s32 $0xFFFFEC00  }
0x3a: {  	[tilespmem:s19], [sflag:$0x3] =	stream.linear.gather [hbm4b:s11+s26], $0x1400, $0x38;
	[tilespmem:$0x1E800] =	vst v63  }
0x3b: {  	_ =	swait.ge [sflag:s18], $0x1400  }
0x3c: {  	[sflag:s18] =	ssyncset.done $0x0  }
0x3d: {  	[sflag:s18] =	ssyncadd.s32 $0xFFFFEC00  }
0x3e: {  	[tilespmem:s16], [sflag:$0x1] =	stream.indirect.gather [hbm4b:s4+s20], $0x80, s26, s20, $0xb8;
	[tilespmem:$0x1E800] =	vst v63  }
0x3f: {  	_ = 	snop  }
0x40: {  	[tilespmem:s21], [sflag:$0x2] =	stream.indirect.gather [hbm4b:s4+s20], $0x80, s20, s20, $0xb8;
	[tilespmem:$0x1E800] =	vst v63  }
0x41: {  	_ =	swait.ge [sflag:s17], $0x4000  }
0x42: {  	[sflag:s17] =	ssyncset.done $0x0  }
0x43: {  	s29 =	simm.s32 $0x1400;
	[sflag:s17] =	ssyncadd.s32 $0xFFFFC000  }
0x44: {  	[spmem:s1] =	stream.indirect.scatter.add.f32 [tilespmem:s16], [sflag:$0x3], $0x80, s29, s20, $0xb8;
	[tilespmem:$0x1E800] =	vst v63  }
0x45: {  	_ =	swait.ge [sflag:s18], $0x4000  }
0x46: {  	[sflag:s18] =	ssyncset.done $0x0  }
0x47: {  	s30 =	simm.s32 $0x100;
	[sflag:s18] =	ssyncadd.s32 $0xFFFFC000  }
0x48: {  	[tilespmem:s16], [sflag:$0x1] =	stream.indirect.gather [hbm4b:s4+s20], $0x80, s30, s20, $0xb8;
	[tilespmem:$0x1E800] =	vst v63  }
0x49: {  	_ =	swait.ge [sflag:s22], $0x4000  }
0x4a: {  	[sflag:s22] =	ssyncset.done $0x0  }
0x4b: {  	s31 =	simm.s32 $0x1480;
	[sflag:s22] =	ssyncadd.s32 $0xFFFFC000  }
0x4c: {  	[spmem:s1] =	stream.indirect.scatter.add.f32 [tilespmem:s21], [sflag:$0x3], $0x80, s31, s20, $0xb8;
	[tilespmem:$0x1E800] =	vst v63  }
0x4d: {  	_ =	swait.ge [sflag:s18], $0x4000  }
0x4e: {  	[sflag:s18] =	ssyncset.done $0x0  }
0x4f: {  	s28 =	simm.s32 $0x180;
	s26 =	simm.s32 $0x400;
	[sflag:s18] =	ssyncadd.s32 $0xFFFFC000  }
.LBB2_4:
0x50: {  	[tilespmem:s21], [sflag:$0x2] =	stream.indirect.gather [hbm4b:s4+s20], $0x80, s28, s20, $0xb8;
	[tilespmem:$0x1E800] =	vst v63  }
0x51: {  	s28 =	smov.u32 s26  }
0x52: {  	p0 =	sne.s32 s26, $0x4800;
	s26 =	sadd.s32 $0x400, s26;
	_ =	swait.ge [sflag:s17], $0x4000  }
0x53: {  	s28 =	sshra.s32 s28, $0x2;
	[sflag:s17] =	ssyncset.done $0x0  }
0x54: {  	s29 =	sadd.s32 $0x1400, s28;
	[sflag:s17] =	ssyncadd.s32 $0xFFFFC000  }
0x55: {  	[spmem:s1] =	stream.indirect.scatter.add.f32 [tilespmem:s16], [sflag:$0x3], $0x80, s29, s20, $0xb8;
	[tilespmem:$0x1E800] =	vst v63  }
0x56: {  	_ =	swait.ge [sflag:s18], $0x4000  }
0x57: {  	[sflag:s18] =	ssyncset.done $0x0  }
0x58: {  	s29 =	sadd.s32 $0x100, s28;
	[sflag:s18] =	ssyncadd.s32 $0xFFFFC000  }
0x59: {  	[tilespmem:s16], [sflag:$0x1] =	stream.indirect.gather [hbm4b:s4+s20], $0x80, s29, s20, $0xb8;
	[tilespmem:$0x1E800] =	vst v63  }
0x5a: {  	_ =	swait.ge [sflag:s22], $0x4000  }
0x5b: {  	[sflag:s22] =	ssyncset.done $0x0  }
.Ltmp1:
0x5c: {  	s29 =	sadd.s32 $0x1480, s28;
	[sflag:s22] =	ssyncadd.s32 $0xFFFFC000;
	(pc) =	sbr.rel @p0 .LBB2_4-.Ltmp1, $4  }
0x5d: {  	[spmem:s1] =	stream.indirect.scatter.add.f32 [tilespmem:s21], [sflag:$0x3], $0x80, s29, s20, $0xb8;
	[tilespmem:$0x1E800] =	vst v63  }
0x5e: {  	_ =	swait.ge [sflag:s18], $0x4000  }
0x5f: {  	[sflag:s18] =	ssyncset.done $0x0  }
0x60: {  	s28 =	sadd.s32 $0x180, s28;
	[sflag:s18] =	ssyncadd.s32 $0xFFFFC000  }
0x61: {  	[tilespmem:s21], [sflag:$0x2] =	stream.indirect.gather [hbm4b:s4+s20], $0x80, s28, s20, $0xb8;
	[tilespmem:$0x1E800] =	vst v63  }
0x62: {  	_ =	swait.ge [sflag:s17], $0x4000  }
0x63: {  	[sflag:s17] =	ssyncset.done $0x0  }
0x64: {  	[sflag:s17] =	ssyncadd.s32 $0xFFFFC000  }
0x65: {  	[spmem:s1] =	stream.indirect.scatter.add.f32 [tilespmem:s16], [sflag:$0x3], $0x80, s23, s20, $0xb8;
	[tilespmem:$0x1E800] =	vst v63  }
0x66: {  	_ =	swait.ge [sflag:s18], $0x4000  }
0x67: {  	[sflag:s18] =	ssyncset.done $0x0  }
0x68: {  	[sflag:s18] =	ssyncadd.s32 $0xFFFFC000  }
0x69: {  	_ =	swait.ge [sflag:s22], $0x4000  }
0x6a: {  	[sflag:s22] =	ssyncset.done $0x0  }
0x6b: {  	[sflag:s22] =	ssyncadd.s32 $0xFFFFC000  }
0x6c: {  	[spmem:s1] =	stream.indirect.scatter.add.f32 [tilespmem:s21], [sflag:$0x3], $0x80, s24, s20, $0xb8;
	[tilespmem:$0x1E800] =	vst v63  }
0x6d: {  	_ =	swait.ge [sflag:s18], $0x4000  }
0x6e: {  	[sflag:s18] =	ssyncset.done $0x0  }
0x6f: {  	s26 =	simm.s32 $0x0;
	[sflag:s18] =	ssyncadd.s32 $0xFFFFC000  }
0x70: {  	[tilespmem:s26], [sflag:$0x3] =	stream.linear.gather [hbm4b:s12+s26], $0x1400, $0x38;
	[tilespmem:$0x1E800] =	vst v63  }
0x71: {  	_ =	swait.ge [sflag:s18], $0x1400  }
0x72: {  	[sflag:s18] =	ssyncset.done $0x0  }
0x73: {  	[sflag:s18] =	ssyncadd.s32 $0xFFFFEC00  }
0x74: {  	[tilespmem:s19], [sflag:$0x3] =	stream.linear.gather [hbm4b:s13+s26], $0x1400, $0x38;
	[tilespmem:$0x1E800] =	vst v63  }
0x75: {  	_ =	swait.ge [sflag:s18], $0x1400  }
0x76: {  	[sflag:s18] =	ssyncset.done $0x0  }
0x77: {  	[sflag:s18] =	ssyncadd.s32 $0xFFFFEC00  }
0x78: {  	[tilespmem:s16], [sflag:$0x1] =	stream.indirect.gather [hbm4b:s4+s20], $0x80, s26, s20, $0xb8;
	[tilespmem:$0x1E800] =	vst v63  }
0x79: {  	_ = 	snop  }
0x7a: {  	[tilespmem:s21], [sflag:$0x2] =	stream.indirect.gather [hbm4b:s4+s20], $0x80, s20, s20, $0xb8;
	[tilespmem:$0x1E800] =	vst v63  }
0x7b: {  	_ =	swait.ge [sflag:s17], $0x4000  }
0x7c: {  	[sflag:s17] =	ssyncset.done $0x0  }
0x7d: {  	s29 =	simm.s32 $0x1400;
	[sflag:s17] =	ssyncadd.s32 $0xFFFFC000  }
0x7e: {  	[spmem:s1] =	stream.indirect.scatter.add.f32 [tilespmem:s16], [sflag:$0x3], $0x80, s29, s20, $0xb8;
	[tilespmem:$0x1E800] =	vst v63  }
0x7f: {  	_ =	swait.ge [sflag:s18], $0x4000  }
0x80: {  	[sflag:s18] =	ssyncset.done $0x0  }
0x81: {  	s30 =	simm.s32 $0x100;
	[sflag:s18] =	ssyncadd.s32 $0xFFFFC000  }
0x82: {  	[tilespmem:s16], [sflag:$0x1] =	stream.indirect.gather [hbm4b:s4+s20], $0x80, s30, s20, $0xb8;
	[tilespmem:$0x1E800] =	vst v63  }
0x83: {  	_ =	swait.ge [sflag:s22], $0x4000  }
0x84: {  	[sflag:s22] =	ssyncset.done $0x0  }
0x85: {  	s31 =	simm.s32 $0x1480;
	[sflag:s22] =	ssyncadd.s32 $0xFFFFC000  }
0x86: {  	[spmem:s1] =	stream.indirect.scatter.add.f32 [tilespmem:s21], [sflag:$0x3], $0x80, s31, s20, $0xb8;
	[tilespmem:$0x1E800] =	vst v63  }
0x87: {  	_ =	swait.ge [sflag:s18], $0x4000  }
0x88: {  	[sflag:s18] =	ssyncset.done $0x0  }
0x89: {  	s28 =	simm.s32 $0x180;
	s26 =	simm.s32 $0x400;
	[sflag:s18] =	ssyncadd.s32 $0xFFFFC000  }
.LBB2_6:
0x8a: {  	[tilespmem:s21], [sflag:$0x2] =	stream.indirect.gather [hbm4b:s4+s20], $0x80, s28, s20, $0xb8;
	[tilespmem:$0x1E800] =	vst v63  }
0x8b: {  	s28 =	smov.u32 s26  }
0x8c: {  	p0 =	sne.s32 s26, $0x4800;
	s26 =	sadd.s32 $0x400, s26;
	_ =	swait.ge [sflag:s17], $0x4000  }
0x8d: {  	s28 =	sshra.s32 s28, $0x2;
	[sflag:s17] =	ssyncset.done $0x0  }
0x8e: {  	s29 =	sadd.s32 $0x1400, s28;
	[sflag:s17] =	ssyncadd.s32 $0xFFFFC000  }
0x8f: {  	[spmem:s1] =	stream.indirect.scatter.add.f32 [tilespmem:s16], [sflag:$0x3], $0x80, s29, s20, $0xb8;
	[tilespmem:$0x1E800] =	vst v63  }
0x90: {  	_ =	swait.ge [sflag:s18], $0x4000  }
0x91: {  	[sflag:s18] =	ssyncset.done $0x0  }
0x92: {  	s29 =	sadd.s32 $0x100, s28;
	[sflag:s18] =	ssyncadd.s32 $0xFFFFC000  }
0x93: {  	[tilespmem:s16], [sflag:$0x1] =	stream.indirect.gather [hbm4b:s4+s20], $0x80, s29, s20, $0xb8;
	[tilespmem:$0x1E800] =	vst v63  }
0x94: {  	_ =	swait.ge [sflag:s22], $0x4000  }
0x95: {  	[sflag:s22] =	ssyncset.done $0x0  }
.Ltmp2:
0x96: {  	s29 =	sadd.s32 $0x1480, s28;
	[sflag:s22] =	ssyncadd.s32 $0xFFFFC000;
	(pc) =	sbr.rel @p0 .LBB2_6-.Ltmp2, $4  }
0x97: {  	[spmem:s1] =	stream.indirect.scatter.add.f32 [tilespmem:s21], [sflag:$0x3], $0x80, s29, s20, $0xb8;
	[tilespmem:$0x1E800] =	vst v63  }
0x98: {  	_ =	swait.ge [sflag:s18], $0x4000  }
0x99: {  	[sflag:s18] =	ssyncset.done $0x0  }
0x9a: {  	s28 =	sadd.s32 $0x180, s28;
	[sflag:s18] =	ssyncadd.s32 $0xFFFFC000  }
0x9b: {  	[tilespmem:s21], [sflag:$0x2] =	stream.indirect.gather [hbm4b:s4+s20], $0x80, s28, s20, $0xb8;
	[tilespmem:$0x1E800] =	vst v63  }
0x9c: {  	_ =	swait.ge [sflag:s17], $0x4000  }
0x9d: {  	[sflag:s17] =	ssyncset.done $0x0  }
0x9e: {  	[sflag:s17] =	ssyncadd.s32 $0xFFFFC000  }
0x9f: {  	[spmem:s1] =	stream.indirect.scatter.add.f32 [tilespmem:s16], [sflag:$0x3], $0x80, s23, s20, $0xb8;
	[tilespmem:$0x1E800] =	vst v63  }
0xa0: {  	_ =	swait.ge [sflag:s18], $0x4000  }
0xa1: {  	[sflag:s18] =	ssyncset.done $0x0  }
0xa2: {  	[sflag:s18] =	ssyncadd.s32 $0xFFFFC000  }
0xa3: {  	_ =	swait.ge [sflag:s22], $0x4000  }
0xa4: {  	[sflag:s22] =	ssyncset.done $0x0  }
0xa5: {  	[sflag:s22] =	ssyncadd.s32 $0xFFFFC000  }
0xa6: {  	[spmem:s1] =	stream.indirect.scatter.add.f32 [tilespmem:s21], [sflag:$0x3], $0x80, s24, s20, $0xb8;
	[tilespmem:$0x1E800] =	vst v63  }
0xa7: {  	_ =	swait.ge [sflag:s18], $0x4000  }
0xa8: {  	s26 =	sshll.u32 s2, $0x6;
	s25 =	sadd.s32 $0x1, s25;
	[sflag:s18] =	ssyncset.done $0x0  }
0xa9: {  	s31 =	sshrl.u32 s5, $0x3;
	p0 =	sne.s32 s25, s15;
	[sflag:s18] =	ssyncadd.s32 $0xFFFFC000  }
.Ltmp3:
0xaa: {  	s26 =	sor.u32 $0x1C03, s26;
	[bflag:$0x0] =	sbarrier.arrive $0xFFFF;
	(pc) =	sbr.rel @p0 .LBB2_1-.Ltmp3, $4  }
0xab: {  	[hbm:s14], [sflag:s26] =	dma.local [spmem:s31], $0x2800  }
0xac: {  	_ =	swait.ge [sflag:s18], $0x2800  }
0xad: {  	[sflag:s18] =	ssyncset.done $0x0  }
0xae: {  	[sflag:s18] =	ssyncadd.s32 $0xFFFFD800  }
0xaf: {  	_ =	sfence.sel $0x180000  }
0xb0: {  	[bflag:$0x0] =	sbarrier.arrive $0xFFFF  }
0xb1: {  	p0 =	sne.s32 s2, $0x0;
	_ =	strace $0x9000004D  }
0xb2: {  	s0 =	sadd.s32 @!p0 $0x100000, s0;
	[bflag:$0x2] =	sbarrier.arrive $0xFFFF  }
0xb3: {  	[sflag:s0] =	ssyncadd.tile.s32 @!p0 $0x1;
	_ =	shalt  }
.Lfunc_end2:
_tile_overlayer_lowered:
.L_overlay_start_2:
0xb4: {  	(tag) =	ssettag $0x2  }
0xb5: {  	s0 =	rddreg [dreg:$0x0];
	s2 =	stileid.u32  }
0xb6: {  	s1 =	rddreg [dreg:$0x1];
	p0 =	sne.s32 s2, $0x0  }
0xb7: {  	s3 =	rddreg [dreg:$0x2];
	[bflag:$0x3] =	sbarrier.arrive $0xFFFF;
	s2 =	simm.s32 @!p0 $0x1C03  }
0xb8: {  	[timem:s3], [sflag:s2] =	dma.local @!p0 [hbm:s0], s1  }
0xb9: {  	s0 =	simm.s32 @!p0 $0x3  }
0xba: {  	_ =	swait.ge @!p0 [sflag:s0], s1  }
0xbb: {  	s1 =	ssub.s32 @!p0 $0x0, s1;
	[sflag:s0] =	ssyncset.done @!p0 $0x0  }
0xbc: {  	[sflag:s0] =	ssyncadd.s32 @!p0 s1  }
0xbd: {  	[bflag:$0x3] =	sbarrier.arrive $0xFFFF  }
0xbe: {  	_ =	shalt  }

// kernel: kernel.9.cloned.1.call-start
scs
__scs_entry_jumppad:
0x0: {  	(pc) =	sbr.rel $0x88, $3  }
0x1: {  	(tag) =	ssettag $0x0;
	lr =	simm.s32 $0x1  }
0x2: {  	[smem:$0x3F99] =	sst lr;
	_ =	strace $0xD0000000  }
0x3: {  	_ = 	snop  }
0x4: {  	_ = 	snop  }
0x5: {  	_ = 	snop  }
0x6: {  	_ = 	snop  }
0x7: {  	_ = 	snop  }
__scs_overlays_trampoline_lowered:
0x8: {  	[smem:$0x3FA8] =	sst s0  }
0x9: {  	[smem:$0x3FA9] =	sst s1  }
0xa: {  	[smem:$0x3FAA] =	sst s2  }
0xb: {  	[smem:$0x3FAB] =	sst s3  }
0xc: {  	[smem:$0x3FAC] =	sst s4  }
0xd: {  	[smem:$0x3FAD] =	sst s5  }
0xe: {  	[smem:$0x3FAE] =	sst s6  }
0xf: {  	[smem:$0x3FAF] =	sst s7  }
0x10: {  	[smem:$0x3FB0] =	sst s8  }
0x11: {  	[smem:$0x3FB1] =	sst s9;
	s0 =	simm.s32 @!p0 $0x0  }
0x12: {  	s1 =	sld [smem:$0x3F97];
	s0 =	simm.s32 @p0 $0x1  }
0x13: {  	[smem:$0x3FB2] =	sst s0;
	s0 =	simm.s32 @!p1 $0x0  }
0x14: {  	s2 =	sld [smem:$0x3F96];
	s0 =	simm.s32 @p1 $0x1  }
0x15: {  	[smem:$0x3FB3] =	sst s0;
	s0 =	simm.s32 @!p2 $0x0  }
0x16: {  	s3 =	sld [smem:$0x3FDB];
	s0 =	simm.s32 @p2 $0x1  }
0x17: {  	s4 =	simm.s32 $0x1BF5;
	[smem:$0x3FB5] =	sst s0  }
0x18: {  	s0 =	sld [smem:$0x3F98];
	_ =	swait.ge [sflag:s4], $0x0  }
0x19: {  	s7 =	sld [smem:$0x3F99]  }
0x1a: {  	s8 =	sadd.s32 $0xFFFFE003, lr  }
0x1b: {  	s9 =	sadd.s32 $0xFFFFFEF7, lr;
	s5 =	simm.s32 $0xFFFFFFFF;
	p2 =	slt.u32 s8, $0xFFFFF086  }
0x1c: {  	p1 =	slt.u32 s9, $0xF7A;
	s5 =	simm.s32 @!p2 $0x0  }
0x1d: {  	s5 =	simm.s32 @p1 $0x1;
	p0 =	seq.s32 s7, s2  }
0x1e: {  	s7 =	smul.u32 @!p0 $0xF7A, s2;
	p2 =	seq.s32 @!p0 s5, $0x0  }
0x1f: {  	s9 =	smul.u32 $0xF7A, s1;
	s8 =	simm.s32 @!p0 $0x1BF5;
	p2 =	por !p2, p0  }
0x20: {  	[sflag:s8] =	ssyncset.s32 @!p0 $0xFFFFF086;
	s6 =	sadd.s32 @!p0 s3, s7;
	s7 =	simm.s32 @!p0 $0x108  }
0x21: {  	s3 =	sadd.s32 s3, s9;
	s6 =	sadd.s32 @!p0 $0x88, s6;
	s7 =	simm.s32 @p2 $0x1082  }
0x22: {  	[simem:s7], [sflag:s8] =	dma.local @!p0 [hbm:s6], $0xF7A  }
0x23: {  	s9 =	sor.u32 $0xD0000000, s2;
	s6 =	simm.s32 $0x108;
	_ =	swait.ge @!p0 [sflag:s8], $0x0  }
0x24: {  	s3 =	sadd.s32 $0x88, s3;
	s6 =	simm.s32 @!p1 $0x1082;
	[sflag:s4] =	ssyncset.s32 $0xFFFFF086  }
0x25: {  	[simem:s6], [sflag:s4] =	dma.local [hbm:s3], $0xF7A  }
0x26: {  	[smem:$0x3F99] =	sst s1;
	(tag) =	ssettag s2;
	_ =	strace s9  }
0x27: {  	s1 =	sld [smem:$0x3FA9]  }
0x28: {  	s2 =	sld [smem:$0x3FAA]  }
0x29: {  	s4 =	sld [smem:$0x3FAC]  }
0x2a: {  	p0 =	seq.s32 s5, $0x0;
	s5 =	sld [smem:$0x3FAD]  }
0x2b: {  	s6 =	sld [smem:$0x3FAE]  }
0x2c: {  	s7 =	sld [smem:$0x3FAF]  }
0x2d: {  	s3 =	simm.s32 $0x108;
	s8 =	sld [smem:$0x3FB0]  }
0x2e: {  	s3 =	simm.s32 @!p0 $0x1082;
	s9 =	sld [smem:$0x3FB1]  }
0x2f: {  	lr =	sadd.s32 s0, s3;
	s0 =	sld [smem:$0x3FA8]  }
0x30: {  	s3 =	sld [smem:$0x3FAB]  }
0x31: {  	[smem:$0x3FB4] =	sst s10  }
0x32: {  	s10 =	sld [smem:$0x3FB2];
	_ =	sdelay $0x3  }
0x33: {  	p0 =	seq.s32 s10, $0x1;
	s10 =	sld [smem:$0x3FB4];
	_ =	sdelay $0x3  }
0x34: {  	[smem:$0x3FB4] =	sst s10  }
0x35: {  	s10 =	sld [smem:$0x3FB3];
	_ =	sdelay $0x3  }
0x36: {  	p1 =	seq.s32 s10, $0x1;
	s10 =	sld [smem:$0x3FB4];
	_ =	sdelay $0x3  }
0x37: {  	[smem:$0x3FB4] =	sst s10  }
0x38: {  	s10 =	sld [smem:$0x3FB5]  }
0x39: {  	_ = 	snop;
	(pc) =	sbr.ind lr, $3  }
0x3a: {  	_ = 	snop  }
0x3b: {  	_ = 	snop  }
0x3c: {  	p2 =	seq.s32 s10, $0x1;
	s10 =	sld [smem:$0x3FB4]  }
0x3d: {  	_ =	shalt  }
0x3e: {  	_ =	shalt  }
0x3f: {  	_ =	shalt  }
0x40: {  	_ =	shalt  }
0x41: {  	_ =	shalt  }
0x42: {  	_ =	shalt  }
0x43: {  	_ =	shalt  }
0x44: {  	_ =	shalt  }
0x45: {  	_ =	shalt  }
0x46: {  	_ =	shalt  }
0x47: {  	_ =	shalt  }
0x48: {  	_ =	shalt  }
0x49: {  	_ =	shalt  }
0x4a: {  	_ =	shalt  }
0x4b: {  	_ =	shalt  }
0x4c: {  	_ =	shalt  }
0x4d: {  	_ =	shalt  }
0x4e: {  	_ =	shalt  }
0x4f: {  	_ =	shalt  }
0x50: {  	_ =	shalt  }
0x51: {  	_ =	shalt  }
0x52: {  	_ =	shalt  }
0x53: {  	_ =	shalt  }
0x54: {  	_ =	shalt  }
0x55: {  	_ =	shalt  }
0x56: {  	_ =	shalt  }
0x57: {  	_ =	shalt  }
0x58: {  	_ =	shalt  }
0x59: {  	_ =	shalt  }
0x5a: {  	_ =	shalt  }
0x5b: {  	_ =	shalt  }
0x5c: {  	_ =	shalt  }
0x5d: {  	_ =	shalt  }
0x5e: {  	_ =	shalt  }
0x5f: {  	_ =	shalt  }
0x60: {  	_ =	shalt  }
0x61: {  	_ =	shalt  }
0x62: {  	_ =	shalt  }
0x63: {  	_ =	shalt  }
0x64: {  	_ =	shalt  }
0x65: {  	_ =	shalt  }
0x66: {  	_ =	shalt  }
0x67: {  	_ =	shalt  }
0x68: {  	_ =	shalt  }
0x69: {  	_ =	shalt  }
0x6a: {  	_ =	shalt  }
0x6b: {  	_ =	shalt  }
0x6c: {  	_ =	shalt  }
0x6d: {  	_ =	shalt  }
0x6e: {  	_ =	shalt  }
0x6f: {  	_ =	shalt  }
0x70: {  	_ =	shalt  }
0x71: {  	_ =	shalt  }
0x72: {  	_ =	shalt  }
0x73: {  	_ =	shalt  }
0x74: {  	_ =	shalt  }
0x75: {  	_ =	shalt  }
0x76: {  	_ =	shalt  }
0x77: {  	_ =	shalt  }
0x78: {  	_ =	shalt  }
0x79: {  	_ =	shalt  }
0x7a: {  	_ =	shalt  }
0x7b: {  	_ =	shalt  }
0x7c: {  	_ =	shalt  }
0x7d: {  	_ =	shalt  }
0x7e: {  	_ =	shalt  }
0x7f: {  	_ =	shalt  }
0x80: {  	_ =	shalt  }
0x81: {  	_ =	shalt  }
0x82: {  	_ =	shalt  }
0x83: {  	_ =	shalt  }
0x84: {  	_ =	shalt  }
0x85: {  	_ =	shalt  }
0x86: {  	_ =	shalt  }
0x87: {  	_ =	shalt  }
.Lfunc_end0:
.L_simem_size_0:
called_computation_lowered:
.L_overlay_start_0:
0x88: {  	s2 =	sld [smem:$0x3FD9]  }
0x89: {  	s3 =	sld [smem:$0x3FFE];
	_ =	sdelay $0x1  }
0x8a: {  	s1 =	srdreg.scid  }
0x8b: {  	s0 =	sand.u32 $0x1, s1  }
0x8c: {  	s14 =	sshll.u32 s0, $0xA;
	s2 =	sadd.s32 s3, s2  }
0x8d: {  	s2 =	sadd.s32 s2, s14  }
0x8e: {  	[smem:$0x3FC0] =	sst s2  }
0x8f: {  	_ = 	snop  }
0x90: {  	s2 =	sld [smem:$0x3FD0];
	_ =	sdelay $0x2  }
0x91: {  	s15 =	simm.s32 $0xA;
	s4 =	simm.s32 $0x10  }
0x92: {  	[smem:s4], [sflag:s15] =	dma.local [hbm:s2], $0x1  }
0x93: {  	_ =	swait.eq [sflag:s15], $0x1  }
0x94: {  	[sflag:s15] =	ssyncset.done $0x0  }
0x95: {  	[sflag:s15] =	ssyncadd.s32 $0xFFFFFFFF  }
0x96: {  	s16 =	sld [smem:$0x11];
	(tm) =	ssettm $0x1  }
0x97: {  	s17 =	sld [smem:$0x3FFB];
	_ =	sdelay $0x3  }
0x98: {  	_ =	strace s17  }
0x99: {  	s3 =	sld [smem:$0x3FFC];
	_ =	sdelay $0x3  }
0x9a: {  	_ =	strace s3  }
0x9b: {  	s3 =	sld [smem:$0x3FFD];
	_ =	sdelay $0x3  }
0x9c: {  	_ =	strace s3  }
0x9d: {  	_ =	strace $0x8FFFFFFF  }
0x9e: {  	s18 =	sld [smem:$0x3FDB];
	_ =	sdelay $0x1  }
0x9f: {  	s19 =	simm.s32 $_scs_section_size  }
0xa0: {  	s5 =	simm.s32 $_size__tile_overlayer_lowered;
	s6 =	simm.s32 $_tile_overlayer_lowered  }
0xa1: {  	s22 =	simm.s32 $0x1BFF;
	s21 =	sshll.u32 s6, $0x1;
	s3 =	sadd.s32 s19, s18  }
0xa2: {  	s7 =	simm.s32 $0x0;
	s20 =	sshll.u32 s5, $0x1;
	s5 =	sadd.s32 s21, s3  }
0xa3: {  	[timem:s7], [sflag:s22] =	dma.local [hbm:s5], s20  }
0xa4: {  	_ =	swait.ge [sflag:s22], s20  }
0xa5: {  	s4 =	ssub.s32 $0x0, s20;
	[sflag:s22] =	ssyncset.done $0x0  }
0xa6: {  	[sflag:s22] =	ssyncadd.s32 s4;
	_ =	sdelay $0x1  }
0xa7: {  	s23 =	simm.s32 $0x1B8B  }
0xa8: {  	_ =	swait.ge [sflag:s23], $0x1  }
0xa9: {  	[sflag:s23] =	ssyncset.done $0x0  }
0xaa: {  	s25 =	simm.s32 $0x1B8E;
	s24 =	sld [smem:$0x3FFE];
	[sflag:s23] =	ssyncadd.s32 $0xFFFFFFFF  }
0xab: {  	s26 =	simm.s32 $execute0_lowered;
	[smem:$0x3FD2] =	sst s25  }
0xac: {  	s5 =	sshll.u32 s26, $0x1;
	_ =	strace $0x80000046;
	[dreg:$0x1] =	wrdreg $0xFFFFFFFF  }
0xad: {  	s28 =	simm.s32 $_size_execute0_lowered;
	s3 =	sadd.s32 s3, s5;
	[dreg:$0x0] =	wrdreg $0x0  }
0xae: {  	s5 =	sshll.u32 s28, $0x1;
	[dreg:$0x2] =	wrdreg s3  }
0xaf: {  	[dreg:$0x3] =	wrdreg s5  }
0xb0: {  	[dreg:$0x4] =	wrdreg $0xC0  }
0xb1: {  	_ =	task [dreg:s7], $0x5FFFF  }
0xb2: {  	[dreg:$0x1] =	wrdreg $0xFFFFFFFF  }
0xb3: {  	[dreg:$0x0] =	wrdreg $0x60  }
0xb4: {  	[dreg:$0x2] =	wrdreg s24  }
0xb5: {  	[dreg:$0x3] =	wrdreg s16  }
0xb6: {  	[dreg:$0x4] =	wrdreg $0x2B000  }
0xb7: {  	[dreg:$0x5] =	wrdreg $0x9  }
0xb8: {  	_ =	task.clear_ibuf [dreg:s7], $0x6FFFF;
	_ =	strace $0x90000046  }
0xb9: {  	s29 =	simm.s32 $0x9;
	_ =	strace $0x80000048  }
0xba: {  	_ =	swait.ge [sflag:s29], $0x1  }
0xbb: {  	[sflag:s29] =	ssyncadd.s32 $0xFFFFFFFF  }
0xbc: {  	_ =	strace $0x90000048  }
0xbd: {  	_ =	sfence  }
0xbe: {  	s30 =	sld [smem:$0x0];
	_ =	sdelay $0x2  }
0xbf: {  	s31 =	sshll.u32 s1, $0xD;
	s1 =	sshrl.u32 s1, $0x2  }
0xc0: {  	s3 =	sand.u32 $0x4000, s31;
	s1 =	sadd.s32 s1, s30  }
0xc1: {  	s0 =	sor.u32 s3, s0;
	s1 =	sshll.u32 s1, $0x11  }
0xc2: {  	s0 =	sor.u32 s1, s0  }
0xc3: {  	s0 =	sadd.s32 $0x8F2B, s0  }
0xc4: {  	[sflag:s0] =	ssyncadd.remote.s32 $0x1  }
0xc5: {  	_ =	sfence.sel $0xFFFF  }
0xc6: {  	[dreg:$0x0] =	wrdreg $0xFFFFFFFF;
	(pc) =	sbr.abs _section_cstart, $3  }
0xc7: {  	[dreg:$0x1] =	wrdreg $0xFFFFFFFF  }
0xc8: {  	_ =	task.clear_ibuf [dreg:s7], $0x2FFFF;
	_ =	strace $0x9FFFFFFF  }
0xc9: {  	(tm) =	ssettm $0x7FFFFFFF  }
tec
execute0_lowered:
.L_overlay_start_1:
0x0: {  	(tag) =	ssettag $0x1  }
0x1: {  	s4 =	rddreg [dreg:$0x0]  }
0x2: {  	s6 =	rddreg [dreg:$0x1]  }
0x3: {  	s2 =	rddreg [dreg:$0x2]  }
0x4: {  	s0 =	srdreg.scid;
	s1 =	rddreg [dreg:$0x3];
	s3 =	simm.s32 $0x0  }
0x5: {  	s11 =	simm.s32 $0x2800;
	s12 =	simm.s32 $0x1;
	s5 =	sand.u32 $0x1, s0  }
0x6: {  	s15 =	simm.s32 $0x20;
	s0 =	stileid.u32;
	s7 =	smul.u32 $0x28000, s5  }
0x7: {  	s16 =	simm.s32 $0x10;
	[smem:$0x7FF] =	sst s3;
	s8 =	smul.u32 $0x2800, s0  }
0x8: {  	s17 =	simm.s32 $0x0;
	_ =	strace $0x80000047;
	s26 =	smul.u32 $0x500, s0  }
0x9: {  	s9 =	ssub.s32 $0x2, s5;
	s10 =	smul.u32 $0xA00, s0;
	s13 =	sshll.u32 s0, $0x6  }
0xa: {  	s5 =	sshll.u32 s5, $0x7;
	s28 =	sshrl.u32 s9, $0x1;
	s13 =	sor.u32 $0x1C02, s13  }
0xb: {  	s7 =	sadd.s32 s8, s7;
	s5 =	sor.u32 s5, s26;
	s29 =	ssub.s32 s9, s28  }
0xc: {  	s30 =	sshrl.u32 s10, $0x2;
	s8 =	simm.s32 $0x2880;
	s9 =	simm.s32 $0x2  }
0xd: {  	s10 =	simm.s32 $0x80;
	s7 =	sshrl.u32 s7, $0x3;
	s31 =	sshrl.u32 s5, $0x3  }
0xe: {  	s7 =	sadd.s32 s7, s4;
	s4 =	sadd.s32 s30, s2;
	s6 =	sadd.s32 s6, s31  }
0xf: {  	v0 =	vimm.f32 $1.000000000e+00;
	v1 =	vimm.f32 $0.0e+00;
	s5 =	sadd.s32 $0x3800, s7;
	s7 =	smax.u32 s29, $0x1;
	s14 =	sshrl.u32 s4, $0x3  }
.LBB2_1:
0x10: {  	[tilespmem:$0x2800] =	vst v0  }
0x11: {  	[tilespmem:$0x2810] =	vst v0  }
0x12: {  	[tilespmem:$0x2820] =	vst v0  }
0x13: {  	[tilespmem:$0x2830] =	vst v0  }
0x14: {  	[tilespmem:$0x2840] =	vst v0  }
0x15: {  	[tilespmem:$0x2850] =	vst v0  }
0x16: {  	[tilespmem:$0x2860] =	vst v0  }
0x17: {  	[tilespmem:$0x2870] =	vst v0  }
0x18: {  	[tilespmem:$0x2880] =	vst v1  }
0x19: {  	[tilespmem:$0x2890] =	vst v1  }
0x1a: {  	[tilespmem:$0x28A0] =	vst v1  }
0x1b: {  	[tilespmem:$0x28B0] =	vst v1  }
0x1c: {  	[tilespmem:$0x28C0] =	vst v1  }
0x1d: {  	[tilespmem:$0x28D0] =	vst v1  }
0x1e: {  	[tilespmem:$0x28E0] =	vst v1  }
0x1f: {  	[tilespmem:$0x28F0] =	vst v1  }
0x20: {  	[tilespmem:$0x2900] =	vst v1  }
0x21: {  	[tilespmem:$0x2910] =	vst v1  }
0x22: {  	[tilespmem:$0x2920] =	vst v1  }
0x23: {  	[tilespmem:$0x2930] =	vst v1  }
0x24: {  	[tilespmem:$0x2940] =	vst v1  }
0x25: {  	[tilespmem:$0x2950] =	vst v1  }
0x26: {  	[tilespmem:$0x2960] =	vst v1  }
0x27: {  	[tilespmem:$0x2970] =	vst v1  }
0x28: {  	[tilespmem:$0x2980] =	vst v1  }
0x29: {  	[tilespmem:$0x2990] =	vst v1  }
0x2a: {  	[tilespmem:$0x29A0] =	vst v1  }
0x2b: {  	[tilespmem:$0x29B0] =	vst v1  }
0x2c: {  	[tilespmem:$0x29C0] =	vst v1  }
0x2d: {  	[tilespmem:$0x29D0] =	vst v1  }
0x2e: {  	[tilespmem:$0x29E0] =	vst v1  }
0x2f: {  	[tilespmem:$0x29F0] =	vst v1  }
0x30: {  	[tilespmem:$0x2A00] =	vst v1  }
0x31: {  	[tilespmem:$0x2A10] =	vst v1  }
0x32: {  	[tilespmem:$0x2A20] =	vst v1  }
0x33: {  	[tilespmem:$0x2A30] =	vst v1  }
0x34: {  	[tilespmem:$0x2A40] =	vst v1  }
0x35: {  	[tilespmem:$0x2A50] =	vst v1  }
0x36: {  	[tilespmem:$0x2A60] =	vst v1  }
0x37: {  	[tilespmem:$0x2A70] =	vst v1  }
0x38: {  	[tilespmem:$0x2A80] =	vst v1  }
0x39: {  	[tilespmem:$0x2A90] =	vst v1  }
0x3a: {  	[tilespmem:$0x2AA0] =	vst v1  }
0x3b: {  	[tilespmem:$0x2AB0] =	vst v1  }
0x3c: {  	[tilespmem:$0x2AC0] =	vst v1  }
0x3d: {  	[tilespmem:$0x2AD0] =	vst v1  }
0x3e: {  	[tilespmem:$0x2AE0] =	vst v1  }
0x3f: {  	[tilespmem:$0x2AF0] =	vst v1  }
0x40: {  	[spmem:s4] =	stream.linear.scatter [tilespmem:s8], [sflag:$0x2], $0x280, $0x38;
	[tilespmem:$0x2D80] =	vst v63  }
0x41: {  	_ =	swait.ge [sflag:s9], $0x280  }
0x42: {  	[sflag:s9] =	ssyncset.done $0x0  }
0x43: {  	[sflag:s9] =	ssyncadd.s32 $0xFFFFFD80  }
0x44: {  	[bflag:$0x0] =	sbarrier.arrive $0xFFFF  }
0x45: {  	[tilespmem:s3], [sflag:$0x2] =	stream.linear.gather [hbm4b:s5+s3], $0x2800, $0x38;
	[tilespmem:$0x2D80] =	vst v63  }
0x46: {  	_ =	swait.ge [sflag:s9], $0x2800  }
0x47: {  	[sflag:s9] =	ssyncset.done $0x0  }
0x48: {  	s18 =	simm.s32 $0x0;
	[sflag:s9] =	ssyncadd.s32 $0xFFFFD800  }
.LBB2_2:
0x49: {  	p0 =	sne.s32 s18, $0x9E00  }
.Ltmp0:
0x4a: {  	_ = 	snop;
	(pc) =	sbr.rel @p0 .LBB2_2-.Ltmp0, $3  }
0x4b: {  	_ =	sdelay $0x1  }
0x4c: {  	s19 =	sshra.s32 s18, $0x2;
	s18 =	sadd.s32 $0x200, s18  }
0x4d: {  	[spmem:s2] =	stream.indirect.scatter.add.f32 [tilespmem:s11], [sflag:$0x1], $0x1, s19, s10, $0xb8;
	[tilespmem:$0x2D80] =	vst v63  }
0x4e: {  	_ =	swait.ge [sflag:s12], $0x80  }
0x4f: {  	s18 =	simm.s32 $0x4F;
	[sflag:s12] =	ssyncset.done $0x0  }
.LBB2_4:
0x50: {  	p0 =	sne.s32 s18, $0x1;
	s18 =	sadd.s32 $0xFFFFFFFF, s18;
	[sflag:s12] =	ssyncadd.s32 $0xFFFFFF80  }
.Ltmp1:
0x51: {  	(pc) =	sbr.rel @p0 .LBB2_4-.Ltmp1, $3  }
0x52: {  	_ =	sdelay $0x1  }
0x53: {  	_ =	swait.ge [sflag:s12], $0x80  }
0x54: {  	[sflag:s12] =	ssyncset.done $0x0  }
0x55: {  	s17 =	sadd.s32 $0x1, s17  }
0x56: {  	[sflag:s12] =	ssyncadd.s32 $0xFFFFFF80;
	p0 =	sne.s32 s17, s7  }
.Ltmp2:
0x57: {  	[bflag:$0x0] =	sbarrier.arrive $0xFFFF;
	(pc) =	sbr.rel @p0 .LBB2_1-.Ltmp2, $4  }
0x58: {  	[hbm:s6@s15], [sflag:s13] =	dma.strided [spmem:s14@s16], $0x50, s12, $0x10   }
0x59: {  	_ =	swait.ge [sflag:s9], $0x50  }
0x5a: {  	[sflag:s9] =	ssyncset.done $0x0  }
0x5b: {  	[sflag:s9] =	ssyncadd.s32 $0xFFFFFFB0  }
0x5c: {  	_ =	sfence.sel $0x180000  }
0x5d: {  	[bflag:$0x0] =	sbarrier.arrive $0xFFFF  }
0x5e: {  	p0 =	sne.s32 s0, $0x0;
	_ =	strace $0x90000047  }
0x5f: {  	s0 =	sadd.s32 @!p0 $0x100000, s1;
	[bflag:$0x2] =	sbarrier.arrive $0xFFFF  }
0x60: {  	[sflag:s0] =	ssyncadd.tile.s32 @!p0 $0x1;
	_ =	shalt  }
.Lfunc_end2:
_tile_overlayer_lowered:
.L_overlay_start_2:
0x61: {  	(tag) =	ssettag $0x2  }
0x62: {  	s0 =	rddreg [dreg:$0x0];
	s2 =	stileid.u32  }
0x63: {  	s1 =	rddreg [dreg:$0x1];
	p0 =	sne.s32 s2, $0x0  }
0x64: {  	s3 =	rddreg [dreg:$0x2];
	[bflag:$0x3] =	sbarrier.arrive $0xFFFF;
	s2 =	simm.s32 @!p0 $0x1C02  }
0x65: {  	[timem:s3], [sflag:s2] =	dma.local @!p0 [hbm:s0], s1  }
0x66: {  	s0 =	simm.s32 @!p0 $0x2  }
0x67: {  	_ =	swait.ge @!p0 [sflag:s0], s1  }
0x68: {  	s1 =	ssub.s32 @!p0 $0x0, s1;
	[sflag:s0] =	ssyncset.done @!p0 $0x0  }
0x69: {  	[sflag:s0] =	ssyncadd.s32 @!p0 s1  }
0x6a: {  	[bflag:$0x3] =	sbarrier.arrive $0xFFFF  }
0x6b: {  	_ =	shalt  }

</sc_bundles>
